<compile_context>
chip_gen: v7x
topology: tpu7x:2x2x1
jax: 0.10.2.dev20260603
libtpu: 0.0.44.dev20260713+nightly
codegen_flags: <defaults>
</compile_context>

<pallas_src>
import functools

import jax
import jax.numpy as jnp
from jax import lax
from jax.experimental import pallas as pl
from jax.experimental.pallas import tpu as pltpu
from jax.experimental.pallas import tpu_sc as plsc


def _conv2d(x, w, b=None, stride=1, padding=0):
    out = jax.lax.conv_general_dilated(
        x, w, (stride, stride), ((padding, padding), (padding, padding)),
        dimension_numbers=('NCHW', 'OIHW', 'NCHW'))
    if b is not None:
        out = out + b[None, :, None, None]
    return out


def _convT2d(x, w, b=None, stride=2, padding=1):
    k = w.shape[2]
    wf = jnp.transpose(w, (1, 0, 2, 3))[:, :, ::-1, ::-1]
    pad = k - 1 - padding
    out = jax.lax.conv_general_dilated(
        x, wf, (1, 1), ((pad, pad), (pad, pad)),
        lhs_dilation=(stride, stride),
        dimension_numbers=('NCHW', 'OIHW', 'NCHW'))
    if b is not None:
        out = out + b[None, :, None, None]
    return out


def _res_stack(x, w1, w2):
    for _ in range(2):
        h = _conv2d(jax.nn.relu(x), w1, None, 1, 1)
        h = _conv2d(jax.nn.relu(h), w2, None, 1, 0)
        x = x + h
    return jax.nn.relu(x)


_K = 8192
_D = 32
_NP = 3136
_PP = 3200
_BR = 640
_SPB = _PP // _BR


def _vq_body(fnorm_ref, cnorm_ref, kiota_ref, z_ref, cb_ref, idx_ref):
    flat = z_ref[0].T
    cb = cb_ref[...]
    mm = lax.dot_general(flat, cb, (((1,), (1,)), ((), ())),
                         preferred_element_type=jnp.float32)
    dist = (fnorm_ref[...] + cnorm_ref[...]) - 2.0 * mm
    m = jnp.min(dist, axis=1, keepdims=True)
    idx = jnp.minimum(
        jnp.min(jnp.where(dist == m, kiota_ref[...], _K), axis=1), _K - 1)
    idx_ref[0, 0, :] = idx


def _vq_idx(fnorm, cnorm, kiota, z3, cb):
    grid = (z3.shape[0] * _PP) // _BR
    return pl.pallas_call(
        _vq_body,
        grid=(grid,),
        in_specs=[
            pl.BlockSpec((_BR, 1), lambda i: (i, 0)),
            pl.BlockSpec((1, _K), lambda i: (0, 0)),
            pl.BlockSpec((1, _K), lambda i: (0, 0)),
            pl.BlockSpec((1, _D, _BR), lambda i: (i // _SPB, 0, i % _SPB)),
            pl.BlockSpec((_K, _D), lambda i: (0, 0)),
        ],
        out_specs=pl.BlockSpec((1, 1, _BR), lambda i: (i, 0, 0)),
        out_shape=jax.ShapeDtypeStruct((grid, 1, _BR), jnp.int32),
    )(fnorm, cnorm, kiota, z3, cb)


_NIDX = 2 * _PP


def _sc_gather(idx_pad, cbt):
    mesh = plsc.VectorSubcoreMesh(core_axis_name="c", subcore_axis_name="s")

    @functools.partial(
        pl.kernel, mesh=mesh,
        compiler_params=pltpu.CompilerParams(needs_layout_passes=False),
        out_type=jax.ShapeDtypeStruct((2 * _D * _NP,), jnp.float32),
        scratch_types=[
            pltpu.VMEM((_NIDX,), jnp.int32),
            pltpu.VMEM((_K,), jnp.float32),
            pltpu.VMEM((_NIDX,), jnp.float32),
        ],
    )
    def k(idx_hbm, cbt_hbm, q_hbm, idx_v, tab_v, out_v):
        w = lax.axis_index("s") * 2 + lax.axis_index("c")
        pltpu.sync_copy(idx_hbm, idx_v)
        pltpu.sync_copy(cbt_hbm.at[w], tab_v)

        def body(j, carry):
            iv = idx_v[pl.ds(j * 16, 16)]
            out_v[pl.ds(j * 16, 16)] = plsc.load_gather(tab_v, [iv])
            return carry

        lax.fori_loop(0, _NIDX // 16, body, 0, unroll=8)
        pltpu.sync_copy(out_v.at[pl.ds(0, _NP)], q_hbm.at[pl.ds(w * _NP, _NP)])
        pltpu.sync_copy(out_v.at[pl.ds(_PP, _NP)],
                        q_hbm.at[pl.ds((_D + w) * _NP, _NP)])

    return k(idx_pad, cbt)


def kernel(x, e_conv1_w, e_conv1_b, e_conv2_w, e_conv2_b, e_conv3_w, e_conv3_b,
           e_res_w1, e_res_w2, e_conv4_w, e_conv4_b, codebook,
           d_convT1_w, d_convT1_b, d_res_w1, d_res_w2,
           d_convT2_w, d_convT2_b, d_convT3_w, d_convT3_b):
    h = jax.nn.relu(_conv2d(x, e_conv1_w, e_conv1_b, 2, 1))
    h = jax.nn.relu(_conv2d(h, e_conv2_w, e_conv2_b, 2, 1))
    h = _conv2d(h, e_conv3_w, e_conv3_b, 1, 1)
    h = _res_stack(h, e_res_w1, e_res_w2)
    z = _conv2d(h, e_conv4_w, e_conv4_b, 1, 1)
    b, c, hh, ww = z.shape
    n = b * hh * ww
    z3 = z.reshape(b, c, hh * ww)
    fnorm = jnp.pad(jnp.sum(z ** 2, axis=1).reshape(b, hh * ww),
                    ((0, 0), (0, _PP - _NP))).reshape(b * _PP, 1)
    cnorm = jnp.sum(codebook ** 2, axis=1)[None, :]
    kiota = jnp.arange(_K, dtype=jnp.int32)[None, :]
    idx3 = _vq_idx(fnorm, cnorm, kiota, z3, codebook)
    cbt = jnp.transpose(codebook)
    q3 = _sc_gather(idx3.reshape(_NIDX), cbt)
    quantized = q3.reshape(z.shape)
    idx = idx3.reshape(b, _PP)[:, :_NP].reshape(b * hh * ww)
    e_latent_loss = jnp.mean((jax.lax.stop_gradient(quantized) - z) ** 2)
    q_latent_loss = jnp.mean((quantized - jax.lax.stop_gradient(z)) ** 2)
    vq_loss = q_latent_loss + 0.25 * e_latent_loss
    quantized_out = z + jax.lax.stop_gradient(quantized - z)
    avg_probs = jnp.bincount(idx, length=codebook.shape[0]).astype(jnp.float32) / n
    perplexity = jnp.exp(-jnp.sum(avg_probs * jnp.log(avg_probs + 1e-10)))
    h = _convT2d(z, d_convT1_w, d_convT1_b, 1, 1)
    h = _res_stack(h, d_res_w1, d_res_w2)
    h = jax.nn.relu(_convT2d(h, d_convT2_w, d_convT2_b, 2, 1))
    x_recon = _convT2d(h, d_convT3_w, d_convT3_b, 2, 1)
    return (x_recon, vq_loss, perplexity, quantized_out)

# --- scband reference (transcript-rebuilt; emitter-appended) ---
"""Pipeline reference for scband-vqvae-30983894073696 (READ-ONLY COPY).

The authoritative reference and input builder live on the scoring server;
editing this copy changes nothing except your own understanding.
"""

import jax, jax.numpy as jnp
import numpy as np


def conv2d(x, w, b=None, stride=1, padding=0):
    out = jax.lax.conv_general_dilated(
        x, w, (stride, stride), ((padding, padding), (padding, padding)),
        dimension_numbers=('NCHW', 'OIHW', 'NCHW'))
    if b is not None:
        out = out + b[None, :, None, None]
    return out


def convT2d(x, w, b=None, stride=2, padding=1):
    # w is a torch ConvTranspose2d weight [in, out, kH, kW]
    k = w.shape[2]
    wf = jnp.transpose(w, (1, 0, 2, 3))[:, :, ::-1, ::-1]
    pad = k - 1 - padding
    out = jax.lax.conv_general_dilated(
        x, wf, (1, 1), ((pad, pad), (pad, pad)),
        lhs_dilation=(stride, stride),
        dimension_numbers=('NCHW', 'OIHW', 'NCHW'))
    if b is not None:
        out = out + b[None, :, None, None]
    return out


def res_stack(x, w1, w2):
    # PyTorch code uses [ResidualLayer]*n -> the SAME layer (shared weights) applied n=2 times
    for _ in range(2):
        h = conv2d(jax.nn.relu(x), w1, None, 1, 1)
        h = conv2d(jax.nn.relu(h), w2, None, 1, 0)
        x = x + h
    return jax.nn.relu(x)


def setup_inputs(seed: int = 0) -> dict:
    key = jax.random.key(seed)
    ks = jax.random.split(key, 24)
    s = 0.05
    K, D = 8192, 32
    inp = {
        'x': jax.random.normal(ks[0], (2, 3, 224, 224), jnp.float32),
        # Encoder
        'e_conv1_w': s * jax.random.normal(ks[1], (32, 3, 4, 4), jnp.float32),
        'e_conv1_b': jnp.zeros((32,), jnp.float32),
        'e_conv2_w': s * jax.random.normal(ks[2], (64, 32, 4, 4), jnp.float32),
        'e_conv2_b': jnp.zeros((64,), jnp.float32),
        'e_conv3_w': s * jax.random.normal(ks[3], (64, 64, 3, 3), jnp.float32),
        'e_conv3_b': jnp.zeros((64,), jnp.float32),
        'e_res_w1': s * jax.random.normal(ks[4], (16, 64, 3, 3), jnp.float32),
        'e_res_w2': s * jax.random.normal(ks[5], (64, 16, 1, 1), jnp.float32),
        'e_conv4_w': s * jax.random.normal(ks[6], (32, 64, 3, 3), jnp.float32),
        'e_conv4_b': jnp.zeros((32,), jnp.float32),
        # VQ codebook, init uniform(-1/K, 1/K) as in torch
        'codebook': jax.random.uniform(ks[7], (K, D), jnp.float32, -1.0 / K, 1.0 / K),
        # Decoder (convT weights in torch layout [in, out, kH, kW])
        'd_convT1_w': s * jax.random.normal(ks[8], (32, 64, 3, 3), jnp.float32),
        'd_convT1_b': jnp.zeros((64,), jnp.float32),
        'd_res_w1': s * jax.random.normal(ks[9], (16, 64, 3, 3), jnp.float32),
        'd_res_w2': s * jax.random.normal(ks[10], (64, 16, 1, 1), jnp.float32),
        'd_convT2_w': s * jax.random.normal(ks[11], (64, 32, 4, 4), jnp.float32),
        'd_convT2_b': jnp.zeros((32,), jnp.float32),
        'd_convT3_w': s * jax.random.normal(ks[12], (32, 16, 4, 4), jnp.float32),
        'd_convT3_b': jnp.zeros((16,), jnp.float32),
    }
    return inp


def reference(x, e_conv1_w, e_conv1_b, e_conv2_w, e_conv2_b, e_conv3_w, e_conv3_b,
              e_res_w1, e_res_w2, e_conv4_w, e_conv4_b, codebook,
              d_convT1_w, d_convT1_b, d_res_w1, d_res_w2,
              d_convT2_w, d_convT2_b, d_convT3_w, d_convT3_b):
    # ---- Encoder ----
    h = jax.nn.relu(conv2d(x, e_conv1_w, e_conv1_b, 2, 1))
    h = jax.nn.relu(conv2d(h, e_conv2_w, e_conv2_b, 2, 1))
    h = conv2d(h, e_conv3_w, e_conv3_b, 1, 1)
    h = res_stack(h, e_res_w1, e_res_w2)
    z = conv2d(h, e_conv4_w, e_conv4_b, 1, 1)  # [B, 32, 56, 56]
    # ---- Vector quantizer ----
    zi = jnp.transpose(z, (0, 2, 3, 1))  # NHWC
    flat = zi.reshape(-1, codebook.shape[1])
    distances = (jnp.sum(flat ** 2, axis=1, keepdims=True)
                 + jnp.sum(codebook ** 2, axis=1)
                 - 2.0 * flat @ codebook.T)
    idx = jnp.argmin(distances, axis=1)
    quantized = jnp.take(codebook, idx, axis=0).reshape(zi.shape)
    e_latent_loss = jnp.mean((jax.lax.stop_gradient(quantized) - zi) ** 2)
    q_latent_loss = jnp.mean((quantized - jax.lax.stop_gradient(zi)) ** 2)
    vq_loss = q_latent_loss + 0.25 * e_latent_loss
    quantized_st = zi + jax.lax.stop_gradient(quantized - zi)
    avg_probs = jnp.bincount(idx, length=codebook.shape[0]).astype(jnp.float32) / flat.shape[0]
    perplexity = jnp.exp(-jnp.sum(avg_probs * jnp.log(avg_probs + 1e-10)))
    quantized_out = jnp.transpose(quantized_st, (0, 3, 1, 2))
    # ---- Decoder (original forward feeds z, not quantized, to the decoder) ----
    h = convT2d(z, d_convT1_w, d_convT1_b, 1, 1)
    h = res_stack(h, d_res_w1, d_res_w2)
    h = jax.nn.relu(convT2d(h, d_convT2_w, d_convT2_b, 2, 1))
    x_recon = convT2d(h, d_convT3_w, d_convT3_b, 2, 1)  # [B, 16, 224, 224]
    return (x_recon, vq_loss, perplexity, quantized_out)

if __name__ == "__main__":
    import jax
    _d = setup_inputs()
    print(jax.jit(kernel)(*tuple(_d.values())))

</pallas_src>

<mosaic_0001>
#map = affine_map<(d0, d1) -> (0)>
#map1 = affine_map<(d0, d1) -> (0, 0)>
module attributes {stable_mosaic.version = 14 : i64} {
  func.func @k(%arg0: i32, %arg1: i32, %arg2: memref<6400xi32, #tpu.memory_space<hbm>>, %arg3: memref<32x8192xf32, #tpu.memory_space<hbm>>, %arg4: memref<200704xf32, #tpu.memory_space<hbm>>, %arg5: memref<6400xi32, #tpu.memory_space<vmem>>, %arg6: memref<8192xf32, #tpu.memory_space<vmem>>, %arg7: memref<6400xf32, #tpu.memory_space<vmem>>) attributes {dimension_semantics = [#tpu.dimension_semantics<core_parallel>, #tpu.dimension_semantics<subcore_parallel>], iteration_bounds = array<i64: 2, 16>, scalar_prefetch = 0 : i64, scratch_operands = 3 : i64, tpu.core_type = #tpu.core_type<sc_vector_subcore>, window_params = [{transform_indices = #map}, {transform_indices = #map1}, {transform_indices = #map}]} {
    %mul3A = arith.constant 2 : i32
    %mul3A_0 = arith.muli %arg1, %mul3A : i32
    %add3A = arith.addi %mul3A_0, %arg0 : i32
    "tpu.region"() ({
      %run_scoped3A = tpu.sem_alloc : memref<!tpu.dma_semaphore, #tpu.memory_space<semaphore_mem>>
      tpu.enqueue_dma source(%arg2 : memref<6400xi32, #tpu.memory_space<hbm>>) target(%arg5 : memref<6400xi32, #tpu.memory_space<vmem>>) target_semaphore(%run_scoped3A : memref<!tpu.dma_semaphore, #tpu.memory_space<semaphore_mem>>)
      tpu.wait_dma2 semaphore(%run_scoped3A : memref<!tpu.dma_semaphore, #tpu.memory_space<semaphore_mem>>) src(%arg2 : memref<6400xi32, #tpu.memory_space<hbm>>) dst(%arg5 : memref<6400xi32, #tpu.memory_space<vmem>>)
      tpu.yield
    }) : () -> ()
    "tpu.region"() ({
      %run_scoped3A = tpu.sem_alloc : memref<!tpu.dma_semaphore, #tpu.memory_space<semaphore_mem>>
      %dma_start3A = arith.constant 0 : i32
      %dma_start3A_12 = tpu.memref_slice %arg3[%add3A, %dma_start3A] : memref<32x8192xf32, #tpu.memory_space<hbm>> -> memref<1x8192xf32, #tpu.memory_space<hbm>>
      %dma_start3A_13 = tpu.memref_squeeze %dma_start3A_12 : memref<1x8192xf32, #tpu.memory_space<hbm>> -> memref<8192xf32, #tpu.memory_space<hbm>>
      %dma_start3A_14 = arith.constant 0 : i32
      %dma_start3A_15 = tpu.memref_slice %arg3[%add3A, %dma_start3A_14] : memref<32x8192xf32, #tpu.memory_space<hbm>> -> memref<1x8192xf32, #tpu.memory_space<hbm>>
      %dma_start3A_16 = tpu.memref_squeeze %dma_start3A_15 : memref<1x8192xf32, #tpu.memory_space<hbm>> -> memref<8192xf32, #tpu.memory_space<hbm>>
      tpu.enqueue_dma source(%dma_start3A_16 : memref<8192xf32, #tpu.memory_space<hbm>>) target(%arg6 : memref<8192xf32, #tpu.memory_space<vmem>>) target_semaphore(%run_scoped3A : memref<!tpu.dma_semaphore, #tpu.memory_space<semaphore_mem>>)
      %dma_wait3A = arith.constant 0 : i32
      %dma_wait3A_17 = tpu.memref_slice %arg3[%add3A, %dma_wait3A] : memref<32x8192xf32, #tpu.memory_space<hbm>> -> memref<1x8192xf32, #tpu.memory_space<hbm>>
      %dma_wait3A_18 = tpu.memref_squeeze %dma_wait3A_17 : memref<1x8192xf32, #tpu.memory_space<hbm>> -> memref<8192xf32, #tpu.memory_space<hbm>>
      %dma_wait3A_19 = arith.constant 0 : i32
      %dma_wait3A_20 = tpu.memref_slice %arg3[%add3A, %dma_wait3A_19] : memref<32x8192xf32, #tpu.memory_space<hbm>> -> memref<1x8192xf32, #tpu.memory_space<hbm>>
      %dma_wait3A_21 = tpu.memref_squeeze %dma_wait3A_20 : memref<1x8192xf32, #tpu.memory_space<hbm>> -> memref<8192xf32, #tpu.memory_space<hbm>>
      tpu.wait_dma2 semaphore(%run_scoped3A : memref<!tpu.dma_semaphore, #tpu.memory_space<semaphore_mem>>) src(%dma_wait3A_21 : memref<8192xf32, #tpu.memory_space<hbm>>) dst(%arg6 : memref<8192xf32, #tpu.memory_space<vmem>>)
      tpu.yield
    }) : () -> ()
    %scan3A = arith.constant 0 : i32
    %scan3A_1 = arith.constant 0 : i32
    %scan3A_2 = arith.constant 400 : i32
    %scan3A_3 = arith.addi %scan3A_1, %scan3A_2 : i32
    %scan3A_4 = arith.constant 8 : i32
    scf.for %scan3A_12 = %scan3A_1 to %scan3A_3 step %scan3A_4  : i32 {
      %mul3A_13 = arith.constant 16 : i32
      %mul3A_14 = arith.muli %scan3A_12, %mul3A_13 : i32
      %get3A = arith.index_cast %mul3A_14 : i32 to index
      %get3A_15 = tpu.vector_load %arg5[%get3A] {strides = array<i32>} : memref<6400xi32, #tpu.memory_space<vmem>>, vector<16xi32>,
      %gather3A = tpu.vector_load_idx %arg6[%get3A_15] : memref<8192xf32, #tpu.memory_space<vmem>>[vector<16xi32>], vector<16xf32>,
      %mul3A_16 = arith.constant 16 : i32
      %mul3A_17 = arith.muli %scan3A_12, %mul3A_16 : i32
      %swap3A = arith.index_cast %mul3A_17 : i32 to index
      %swap3A_18 = tpu.vector_load %arg7[%swap3A] {strides = array<i32>} : memref<6400xf32, #tpu.memory_space<vmem>>, vector<16xf32>,
      tpu.vector_store %arg7[%swap3A], %gather3A {strides = array<i32>} : memref<6400xf32, #tpu.memory_space<vmem>>, vector<16xf32>,
      %scan3A_19 = arith.constant 1 : i32
      %scan3A_20 = arith.addi %scan3A_12, %scan3A_19 : i32
      %mul3A_21 = arith.constant 16 : i32
      %mul3A_22 = arith.muli %scan3A_20, %mul3A_21 : i32
      %get3A_23 = arith.index_cast %mul3A_22 : i32 to index
      %get3A_24 = tpu.vector_load %arg5[%get3A_23] {strides = array<i32>} : memref<6400xi32, #tpu.memory_space<vmem>>, vector<16xi32>,
      %gather3A_25 = tpu.vector_load_idx %arg6[%get3A_24] : memref<8192xf32, #tpu.memory_space<vmem>>[vector<16xi32>], vector<16xf32>,
      %mul3A_26 = arith.constant 16 : i32
      %mul3A_27 = arith.muli %scan3A_20, %mul3A_26 : i32
      %swap3A_28 = arith.index_cast %mul3A_27 : i32 to index
      %swap3A_29 = tpu.vector_load %arg7[%swap3A_28] {strides = array<i32>} : memref<6400xf32, #tpu.memory_space<vmem>>, vector<16xf32>,
      tpu.vector_store %arg7[%swap3A_28], %gather3A_25 {strides = array<i32>} : memref<6400xf32, #tpu.memory_space<vmem>>, vector<16xf32>,
      %scan3A_30 = arith.constant 2 : i32
      %scan3A_31 = arith.addi %scan3A_12, %scan3A_30 : i32
      %mul3A_32 = arith.constant 16 : i32
      %mul3A_33 = arith.muli %scan3A_31, %mul3A_32 : i32
      %get3A_34 = arith.index_cast %mul3A_33 : i32 to index
      %get3A_35 = tpu.vector_load %arg5[%get3A_34] {strides = array<i32>} : memref<6400xi32, #tpu.memory_space<vmem>>, vector<16xi32>,
      %gather3A_36 = tpu.vector_load_idx %arg6[%get3A_35] : memref<8192xf32, #tpu.memory_space<vmem>>[vector<16xi32>], vector<16xf32>,
      %mul3A_37 = arith.constant 16 : i32
      %mul3A_38 = arith.muli %scan3A_31, %mul3A_37 : i32
      %swap3A_39 = arith.index_cast %mul3A_38 : i32 to index
      %swap3A_40 = tpu.vector_load %arg7[%swap3A_39] {strides = array<i32>} : memref<6400xf32, #tpu.memory_space<vmem>>, vector<16xf32>,
      tpu.vector_store %arg7[%swap3A_39], %gather3A_36 {strides = array<i32>} : memref<6400xf32, #tpu.memory_space<vmem>>, vector<16xf32>,
      %scan3A_41 = arith.constant 3 : i32
      %scan3A_42 = arith.addi %scan3A_12, %scan3A_41 : i32
      %mul3A_43 = arith.constant 16 : i32
      %mul3A_44 = arith.muli %scan3A_42, %mul3A_43 : i32
      %get3A_45 = arith.index_cast %mul3A_44 : i32 to index
      %get3A_46 = tpu.vector_load %arg5[%get3A_45] {strides = array<i32>} : memref<6400xi32, #tpu.memory_space<vmem>>, vector<16xi32>,
      %gather3A_47 = tpu.vector_load_idx %arg6[%get3A_46] : memref<8192xf32, #tpu.memory_space<vmem>>[vector<16xi32>], vector<16xf32>,
      %mul3A_48 = arith.constant 16 : i32
      %mul3A_49 = arith.muli %scan3A_42, %mul3A_48 : i32
      %swap3A_50 = arith.index_cast %mul3A_49 : i32 to index
      %swap3A_51 = tpu.vector_load %arg7[%swap3A_50] {strides = array<i32>} : memref<6400xf32, #tpu.memory_space<vmem>>, vector<16xf32>,
      tpu.vector_store %arg7[%swap3A_50], %gather3A_47 {strides = array<i32>} : memref<6400xf32, #tpu.memory_space<vmem>>, vector<16xf32>,
      %scan3A_52 = arith.constant 4 : i32
      %scan3A_53 = arith.addi %scan3A_12, %scan3A_52 : i32
      %mul3A_54 = arith.constant 16 : i32
      %mul3A_55 = arith.muli %scan3A_53, %mul3A_54 : i32
      %get3A_56 = arith.index_cast %mul3A_55 : i32 to index
      %get3A_57 = tpu.vector_load %arg5[%get3A_56] {strides = array<i32>} : memref<6400xi32, #tpu.memory_space<vmem>>, vector<16xi32>,
      %gather3A_58 = tpu.vector_load_idx %arg6[%get3A_57] : memref<8192xf32, #tpu.memory_space<vmem>>[vector<16xi32>], vector<16xf32>,
      %mul3A_59 = arith.constant 16 : i32
      %mul3A_60 = arith.muli %scan3A_53, %mul3A_59 : i32
      %swap3A_61 = arith.index_cast %mul3A_60 : i32 to index
      %swap3A_62 = tpu.vector_load %arg7[%swap3A_61] {strides = array<i32>} : memref<6400xf32, #tpu.memory_space<vmem>>, vector<16xf32>,
      tpu.vector_store %arg7[%swap3A_61], %gather3A_58 {strides = array<i32>} : memref<6400xf32, #tpu.memory_space<vmem>>, vector<16xf32>,
      %scan3A_63 = arith.constant 5 : i32
      %scan3A_64 = arith.addi %scan3A_12, %scan3A_63 : i32
      %mul3A_65 = arith.constant 16 : i32
      %mul3A_66 = arith.muli %scan3A_64, %mul3A_65 : i32
      %get3A_67 = arith.index_cast %mul3A_66 : i32 to index
      %get3A_68 = tpu.vector_load %arg5[%get3A_67] {strides = array<i32>} : memref<6400xi32, #tpu.memory_space<vmem>>, vector<16xi32>,
      %gather3A_69 = tpu.vector_load_idx %arg6[%get3A_68] : memref<8192xf32, #tpu.memory_space<vmem>>[vector<16xi32>], vector<16xf32>,
      %mul3A_70 = arith.constant 16 : i32
      %mul3A_71 = arith.muli %scan3A_64, %mul3A_70 : i32
      %swap3A_72 = arith.index_cast %mul3A_71 : i32 to index
      %swap3A_73 = tpu.vector_load %arg7[%swap3A_72] {strides = array<i32>} : memref<6400xf32, #tpu.memory_space<vmem>>, vector<16xf32>,
      tpu.vector_store %arg7[%swap3A_72], %gather3A_69 {strides = array<i32>} : memref<6400xf32, #tpu.memory_space<vmem>>, vector<16xf32>,
      %scan3A_74 = arith.constant 6 : i32
      %scan3A_75 = arith.addi %scan3A_12, %scan3A_74 : i32
      %mul3A_76 = arith.constant 16 : i32
      %mul3A_77 = arith.muli %scan3A_75, %mul3A_76 : i32
      %get3A_78 = arith.index_cast %mul3A_77 : i32 to index
      %get3A_79 = tpu.vector_load %arg5[%get3A_78] {strides = array<i32>} : memref<6400xi32, #tpu.memory_space<vmem>>, vector<16xi32>,
      %gather3A_80 = tpu.vector_load_idx %arg6[%get3A_79] : memref<8192xf32, #tpu.memory_space<vmem>>[vector<16xi32>], vector<16xf32>,
      %mul3A_81 = arith.constant 16 : i32
      %mul3A_82 = arith.muli %scan3A_75, %mul3A_81 : i32
      %swap3A_83 = arith.index_cast %mul3A_82 : i32 to index
      %swap3A_84 = tpu.vector_load %arg7[%swap3A_83] {strides = array<i32>} : memref<6400xf32, #tpu.memory_space<vmem>>, vector<16xf32>,
      tpu.vector_store %arg7[%swap3A_83], %gather3A_80 {strides = array<i32>} : memref<6400xf32, #tpu.memory_space<vmem>>, vector<16xf32>,
      %scan3A_85 = arith.constant 7 : i32
      %scan3A_86 = arith.addi %scan3A_12, %scan3A_85 : i32
      %mul3A_87 = arith.constant 16 : i32
      %mul3A_88 = arith.muli %scan3A_86, %mul3A_87 : i32
      %get3A_89 = arith.index_cast %mul3A_88 : i32 to index
      %get3A_90 = tpu.vector_load %arg5[%get3A_89] {strides = array<i32>} : memref<6400xi32, #tpu.memory_space<vmem>>, vector<16xi32>,
      %gather3A_91 = tpu.vector_load_idx %arg6[%get3A_90] : memref<8192xf32, #tpu.memory_space<vmem>>[vector<16xi32>], vector<16xf32>,
      %mul3A_92 = arith.constant 16 : i32
      %mul3A_93 = arith.muli %scan3A_86, %mul3A_92 : i32
      %swap3A_94 = arith.index_cast %mul3A_93 : i32 to index
      %swap3A_95 = tpu.vector_load %arg7[%swap3A_94] {strides = array<i32>} : memref<6400xf32, #tpu.memory_space<vmem>>, vector<16xf32>,
      tpu.vector_store %arg7[%swap3A_94], %gather3A_91 {strides = array<i32>} : memref<6400xf32, #tpu.memory_space<vmem>>, vector<16xf32>,
    }
    %scan3A_5 = arith.constant 400 : i32
    %mul3A_6 = arith.constant 3136 : i32
    %mul3A_7 = arith.muli %add3A, %mul3A_6 : i32
    "tpu.region"() ({
      %run_scoped3A = tpu.sem_alloc : memref<!tpu.dma_semaphore, #tpu.memory_space<semaphore_mem>>
      %dma_start3A = arith.constant 0 : i32
      %dma_start3A_12 = tpu.memref_slice %arg7[%dma_start3A] : memref<6400xf32, #tpu.memory_space<vmem>> -> memref<3136xf32, #tpu.memory_space<vmem>>
      %dma_start3A_13 = tpu.memref_slice %arg4[%mul3A_7] : memref<200704xf32, #tpu.memory_space<hbm>> -> memref<3136xf32, #tpu.memory_space<hbm>>
      %dma_start3A_14 = tpu.memref_slice %arg4[%mul3A_7] : memref<200704xf32, #tpu.memory_space<hbm>> -> memref<3136xf32, #tpu.memory_space<hbm>>
      %dma_start3A_15 = arith.constant 0 : i32
      %dma_start3A_16 = tpu.memref_slice %arg7[%dma_start3A_15] : memref<6400xf32, #tpu.memory_space<vmem>> -> memref<3136xf32, #tpu.memory_space<vmem>>
      tpu.enqueue_dma source(%dma_start3A_16 : memref<3136xf32, #tpu.memory_space<vmem>>) target(%dma_start3A_14 : memref<3136xf32, #tpu.memory_space<hbm>>) target_semaphore(%run_scoped3A : memref<!tpu.dma_semaphore, #tpu.memory_space<semaphore_mem>>)
      %dma_wait3A = arith.constant 0 : i32
      %dma_wait3A_17 = tpu.memref_slice %arg7[%dma_wait3A] : memref<6400xf32, #tpu.memory_space<vmem>> -> memref<3136xf32, #tpu.memory_space<vmem>>
      %dma_wait3A_18 = tpu.memref_slice %arg4[%mul3A_7] : memref<200704xf32, #tpu.memory_space<hbm>> -> memref<3136xf32, #tpu.memory_space<hbm>>
      %dma_wait3A_19 = tpu.memref_slice %arg4[%mul3A_7] : memref<200704xf32, #tpu.memory_space<hbm>> -> memref<3136xf32, #tpu.memory_space<hbm>>
      %dma_wait3A_20 = arith.constant 0 : i32
      %dma_wait3A_21 = tpu.memref_slice %arg7[%dma_wait3A_20] : memref<6400xf32, #tpu.memory_space<vmem>> -> memref<3136xf32, #tpu.memory_space<vmem>>
      tpu.wait_dma2 semaphore(%run_scoped3A : memref<!tpu.dma_semaphore, #tpu.memory_space<semaphore_mem>>) src(%dma_wait3A_21 : memref<3136xf32, #tpu.memory_space<vmem>>) dst(%dma_wait3A_19 : memref<3136xf32, #tpu.memory_space<hbm>>)
      tpu.yield
    }) : () -> ()
    %add3A_8 = arith.constant 32 : i32
    %add3A_9 = arith.addi %add3A_8, %add3A : i32
    %mul3A_10 = arith.constant 3136 : i32
    %mul3A_11 = arith.muli %add3A_9, %mul3A_10 : i32
    "tpu.region"() ({
      %run_scoped3A = tpu.sem_alloc : memref<!tpu.dma_semaphore, #tpu.memory_space<semaphore_mem>>
      %dma_start3A = arith.constant 3200 : i32
      %dma_start3A_12 = tpu.memref_slice %arg7[%dma_start3A] : memref<6400xf32, #tpu.memory_space<vmem>> -> memref<3136xf32, #tpu.memory_space<vmem>>
      %dma_start3A_13 = tpu.memref_slice %arg4[%mul3A_11] : memref<200704xf32, #tpu.memory_space<hbm>> -> memref<3136xf32, #tpu.memory_space<hbm>>
      %dma_start3A_14 = tpu.memref_slice %arg4[%mul3A_11] : memref<200704xf32, #tpu.memory_space<hbm>> -> memref<3136xf32, #tpu.memory_space<hbm>>
      %dma_start3A_15 = arith.constant 3200 : i32
      %dma_start3A_16 = tpu.memref_slice %arg7[%dma_start3A_15] : memref<6400xf32, #tpu.memory_space<vmem>> -> memref<3136xf32, #tpu.memory_space<vmem>>
      tpu.enqueue_dma source(%dma_start3A_16 : memref<3136xf32, #tpu.memory_space<vmem>>) target(%dma_start3A_14 : memref<3136xf32, #tpu.memory_space<hbm>>) target_semaphore(%run_scoped3A : memref<!tpu.dma_semaphore, #tpu.memory_space<semaphore_mem>>)
      %dma_wait3A = arith.constant 3200 : i32
      %dma_wait3A_17 = tpu.memref_slice %arg7[%dma_wait3A] : memref<6400xf32, #tpu.memory_space<vmem>> -> memref<3136xf32, #tpu.memory_space<vmem>>
      %dma_wait3A_18 = tpu.memref_slice %arg4[%mul3A_11] : memref<200704xf32, #tpu.memory_space<hbm>> -> memref<3136xf32, #tpu.memory_space<hbm>>
      %dma_wait3A_19 = tpu.memref_slice %arg4[%mul3A_11] : memref<200704xf32, #tpu.memory_space<hbm>> -> memref<3136xf32, #tpu.memory_space<hbm>>
      %dma_wait3A_20 = arith.constant 3200 : i32
      %dma_wait3A_21 = tpu.memref_slice %arg7[%dma_wait3A_20] : memref<6400xf32, #tpu.memory_space<vmem>> -> memref<3136xf32, #tpu.memory_space<vmem>>
      tpu.wait_dma2 semaphore(%run_scoped3A : memref<!tpu.dma_semaphore, #tpu.memory_space<semaphore_mem>>) src(%dma_wait3A_21 : memref<3136xf32, #tpu.memory_space<vmem>>) dst(%dma_wait3A_19 : memref<3136xf32, #tpu.memory_space<hbm>>)
      tpu.yield
    }) : () -> ()
    return
  }
}

module attributes {stable_mosaic.version = 14 : i64} {
  func.func @_vq_body(%arg0: i32, %arg1: memref<640x1xf32, #tpu.memory_space<vmem>>, %arg2: memref<1x8192xf32, #tpu.memory_space<vmem>>, %arg3: memref<1x8192xi32, #tpu.memory_space<vmem>>, %arg4: memref<1x32x640xf32, #tpu.memory_space<vmem>>, %arg5: memref<8192x32xf32, #tpu.memory_space<vmem>>, %arg6: memref<1x1x640xi32, #tpu.memory_space<vmem>>) attributes {dimension_semantics = [#tpu.dimension_semantics<arbitrary>], iteration_bounds = array<i64: 10>, scalar_prefetch = 0 : i64, scratch_operands = 0 : i64, tpu.core_type = #tpu.core_type<tc>, window_params = [{transform_indices = @transform_0, window_bounds = array<i64: 640, 1>}, {pipeline_mode = #tpu.pipeline_mode<synchronous>, transform_indices = @transform_1, window_bounds = array<i64: 1, 8192>}, {pipeline_mode = #tpu.pipeline_mode<synchronous>, transform_indices = @transform_2, window_bounds = array<i64: 1, 8192>}, {transform_indices = @transform_3, window_bounds = array<i64: 1, 32, 640>}, {pipeline_mode = #tpu.pipeline_mode<synchronous>, transform_indices = @transform_4, window_bounds = array<i64: 8192, 32>}, {transform_indices = @transform_5, window_bounds = array<i64: 1, 1, 640>}]} {
    %get3A = arith.constant 0 : index
    %get3A_0 = arith.constant 0 : index
    %get3A_1 = arith.constant 0 : index
    %get3A_2 = vector.load %arg4[%get3A, %get3A_0, %get3A_1] : memref<1x32x640xf32, #tpu.memory_space<vmem>>, vector<1x32x640xf32>
    %get3A_3 = vector.shape_cast %get3A_2 : vector<1x32x640xf32> to vector<32x640xf32>
    %transpose3A = tpu.transpose %get3A_3, [1, 0] : vector<32x640xf32> -> vector<640x32xf32>
    %get3A_4 = arith.constant 0 : index
    %get3A_5 = arith.constant 0 : index
    %get3A_6 = vector.load %arg5[%get3A_4, %get3A_5] : memref<8192x32xf32, #tpu.memory_space<vmem>>, vector<8192x32xf32>
    %dot_general3A = arith.constant dense<0.000000e+00> : vector<640x8192xf32>
    %dot_general3A_7 = tpu.matmul %transpose3A, %get3A_6, %dot_general3A {dimension_numbers = #tpu.dot_dimension_numbers<[1], [1], [0], [0], [0, 0, 1, 0], [], []>, transpose_lhs_hint = false} : vector<640x32xf32>, vector<8192x32xf32>, vector<640x8192xf32> -> vector<640x8192xf32>
    %get3A_8 = arith.constant 0 : index
    %get3A_9 = arith.constant 0 : index
    %get3A_10 = vector.load %arg1[%get3A_8, %get3A_9] : memref<640x1xf32, #tpu.memory_space<vmem>>, vector<640x1xf32>
    %get3A_11 = arith.constant 0 : index
    %get3A_12 = arith.constant 0 : index
    %get3A_13 = vector.load %arg2[%get3A_11, %get3A_12] : memref<1x8192xf32, #tpu.memory_space<vmem>>, vector<1x8192xf32>
    %add3A = vector.broadcast %get3A_10 : vector<640x1xf32> to vector<640x8192xf32>
    %add3A_14 = vector.broadcast %get3A_13 : vector<1x8192xf32> to vector<640x8192xf32>
    %add3A_15 = arith.addf %add3A, %add3A_14 : vector<640x8192xf32>
    %mul3A = arith.constant 2.000000e+00 : f32
    %mul3A_16 = vector.broadcast %mul3A : f32 to vector<640x8192xf32>
    %mul3A_17 = arith.mulf %mul3A_16, %dot_general3A_7 : vector<640x8192xf32>
    %sub3A = arith.subf %add3A_15, %mul3A_17 : vector<640x8192xf32>
    %reduce_min3A = arith.constant dense<0x7F800000> : vector<640xf32>
    %reduce_min3A_18 = vector.multi_reduction <minimumf>, %sub3A, %reduce_min3A [1] : vector<640x8192xf32> to vector<640xf32>
    %broadcast_in_dim3A = vector.shape_cast %reduce_min3A_18 : vector<640xf32> to vector<640x1xf32>
    %eq3A = vector.broadcast %broadcast_in_dim3A : vector<640x1xf32> to vector<640x8192xf32>
    %eq3A_19 = arith.cmpf oeq, %sub3A, %eq3A : vector<640x8192xf32>
    %get3A_20 = arith.constant 0 : index
    %get3A_21 = arith.constant 0 : index
    %get3A_22 = vector.load %arg3[%get3A_20, %get3A_21] : memref<1x8192xi32, #tpu.memory_space<vmem>>, vector<1x8192xi32>
    %jit3A = arith.constant 8192 : i32
    %broadcast_in_dim3A_23 = vector.shape_cast %get3A_22 : vector<1x8192xi32> to vector<1x8192xi32>
    %broadcast_in_dim3A_24 = vector.broadcast %broadcast_in_dim3A_23 : vector<1x8192xi32> to vector<640x8192xi32>
    %broadcast_in_dim3A_25 = vector.broadcast %jit3A : i32 to vector<640x8192xi32>
    %select_n3A = arith.select %eq3A_19, %broadcast_in_dim3A_24, %broadcast_in_dim3A_25 : vector<640x8192xi1>, vector<640x8192xi32>
    %reduce_min3A_26 = arith.constant dense<2147483647> : vector<640xi32>
    %reduce_min3A_27 = vector.multi_reduction <minsi>, %select_n3A, %reduce_min3A_26 [1] : vector<640x8192xi32> to vector<640xi32>
    %min3A = arith.constant 8191 : i32
    %min3A_28 = vector.broadcast %min3A : i32 to vector<640xi32>
    %min3A_29 = arith.minsi %reduce_min3A_27, %min3A_28 : vector<640xi32>
    %swap3A = arith.constant 0 : index
    %swap3A_30 = arith.constant 0 : index
    %swap3A_31 = arith.constant 0 : index
    %swap3A_32 = vector.load %arg6[%swap3A, %swap3A_30, %swap3A_31] : memref<1x1x640xi32, #tpu.memory_space<vmem>>, vector<1x1x640xi32>
    %swap3A_33 = vector.shape_cast %swap3A_32 : vector<1x1x640xi32> to vector<640xi32>
    %swap3A_34 = vector.shape_cast %min3A_29 : vector<640xi32> to vector<1x1x640xi32>
    tpu.vector_store %arg6[%swap3A, %swap3A_30, %swap3A_31], %swap3A_34 {strides = array<i32>} : memref<1x1x640xi32, #tpu.memory_space<vmem>>, vector<1x1x640xi32>,
    return
  }
  func.func @transform_0(%arg0: i32) -> (i32, i32) {
    %c0_i32 = arith.constant 0 : i32
    %c0_i32_0 = arith.constant 0 : i32
    return %arg0, %c0_i32 : i32, i32
  }
  func.func @transform_1(%arg0: i32) -> (i32, i32) {
    %c0_i32 = arith.constant 0 : i32
    %c0_i32_0 = arith.constant 0 : i32
    %c0_i32_1 = arith.constant 0 : i32
    return %c0_i32, %c0_i32_0 : i32, i32
  }
  func.func @transform_2(%arg0: i32) -> (i32, i32) {
    %c0_i32 = arith.constant 0 : i32
    %c0_i32_0 = arith.constant 0 : i32
    %c0_i32_1 = arith.constant 0 : i32
    return %c0_i32, %c0_i32_0 : i32, i32
  }
  func.func @transform_3(%arg0: i32) -> (i32, i32, i32) {
    %jit3A = arith.constant 5 : i32
    %div3A = arith.divsi %arg0, %jit3A : i32
    %sign3A = arith.constant 0 : i32
    %sign3A_0 = arith.cmpi sgt, %arg0, %sign3A : i32
    %sign3A_1 = arith.extui %sign3A_0 : i1 to i32
    %sign3A_2 = arith.constant 0 : i32
    %sign3A_3 = arith.cmpi slt, %arg0, %sign3A_2 : i32
    %sign3A_4 = arith.extui %sign3A_3 : i1 to i32
    %sign3A_5 = arith.subi %sign3A_1, %sign3A_4 : i32
    %sign3A_6 = arith.constant 0 : i32
    %sign3A_7 = arith.cmpi sgt, %jit3A, %sign3A_6 : i32
    %sign3A_8 = arith.extui %sign3A_7 : i1 to i32
    %sign3A_9 = arith.constant 0 : i32
    %sign3A_10 = arith.cmpi slt, %jit3A, %sign3A_9 : i32
    %sign3A_11 = arith.extui %sign3A_10 : i1 to i32
    %sign3A_12 = arith.subi %sign3A_8, %sign3A_11 : i32
    %ne3A = arith.cmpi ne, %sign3A_5, %sign3A_12 : i32
    %rem3A = arith.remsi %arg0, %jit3A : i32
    %ne3A_13 = arith.constant 0 : i32
    %ne3A_14 = arith.cmpi ne, %rem3A, %ne3A_13 : i32
    %and3A = arith.andi %ne3A, %ne3A_14 : i1
    %sub3A = arith.constant 1 : i32
    %sub3A_15 = arith.subi %div3A, %sub3A : i32
    %select_n3A = arith.select %and3A, %sub3A_15, %div3A : i32
    %jit3A_16 = arith.constant 5 : i32
    %eq3A = arith.constant 0 : i32
    %eq3A_17 = arith.cmpi eq, %jit3A_16, %eq3A : i32
    %jit3A_18 = arith.constant 1 : i32
    %select_n3A_19 = arith.select %eq3A_17, %jit3A_18, %jit3A_16 : i32
    %rem3A_20 = arith.remsi %arg0, %select_n3A_19 : i32
    %ne3A_21 = arith.constant 0 : i32
    %ne3A_22 = arith.cmpi ne, %rem3A_20, %ne3A_21 : i32
    %lt3A = arith.constant 0 : i32
    %lt3A_23 = arith.cmpi slt, %rem3A_20, %lt3A : i32
    %lt3A_24 = arith.constant 0 : i32
    %lt3A_25 = arith.cmpi slt, %select_n3A_19, %lt3A_24 : i32
    %ne3A_26 = arith.xori %lt3A_23, %lt3A_25 : i1
    %and3A_27 = arith.andi %ne3A_26, %ne3A_22 : i1
    %add3A = arith.addi %rem3A_20, %select_n3A_19 : i32
    %select_n3A_28 = arith.select %and3A_27, %add3A, %rem3A_20 : i32
    %c0_i32 = arith.constant 0 : i32
    %c0_i32_29 = arith.constant 0 : i32
    return %select_n3A, %c0_i32, %select_n3A_28 : i32, i32, i32
  }
  func.func @transform_4(%arg0: i32) -> (i32, i32) {
    %c0_i32 = arith.constant 0 : i32
    %c0_i32_0 = arith.constant 0 : i32
    %c0_i32_1 = arith.constant 0 : i32
    return %c0_i32, %c0_i32_0 : i32, i32
  }
  func.func @transform_5(%arg0: i32) -> (i32, i32, i32) {
    %c0_i32 = arith.constant 0 : i32
    %c0_i32_0 = arith.constant 0 : i32
    %c0_i32_1 = arith.constant 0 : i32
    return %arg0, %c0_i32, %c0_i32_0 : i32, i32, i32
  }
}

</mosaic_0001>

<sc_bundles>
// kernel: kernel.4.cloned.1.call-start
scs
__scs_entry_jumppad:
0x0: {  	(pc) =	sbr.rel $0x88, $3  }
0x1: {  	(tag) =	ssettag $0x0;
	lr =	simm.s32 $0x1  }
0x2: {  	[smem:$0x3F8D] =	sst lr;
	_ =	strace $0xD0000000  }
0x3: {  	_ = 	snop  }
0x4: {  	_ = 	snop  }
0x5: {  	_ = 	snop  }
0x6: {  	_ = 	snop  }
0x7: {  	_ = 	snop  }
__scs_overlays_trampoline_lowered:
0x8: {  	[smem:$0x3F9C] =	sst s0  }
0x9: {  	[smem:$0x3F9D] =	sst s1  }
0xa: {  	[smem:$0x3F9E] =	sst s2  }
0xb: {  	[smem:$0x3F9F] =	sst s3  }
0xc: {  	[smem:$0x3FA0] =	sst s4  }
0xd: {  	[smem:$0x3FA1] =	sst s5  }
0xe: {  	[smem:$0x3FA2] =	sst s6  }
0xf: {  	[smem:$0x3FA3] =	sst s7  }
0x10: {  	[smem:$0x3FA4] =	sst s8  }
0x11: {  	[smem:$0x3FA5] =	sst s9;
	s0 =	simm.s32 @!p0 $0x0  }
0x12: {  	s1 =	sld [smem:$0x3F8B];
	s0 =	simm.s32 @p0 $0x1  }
0x13: {  	[smem:$0x3FA6] =	sst s0;
	s0 =	simm.s32 @!p1 $0x0  }
0x14: {  	s2 =	sld [smem:$0x3F8A];
	s0 =	simm.s32 @p1 $0x1  }
0x15: {  	[smem:$0x3FA7] =	sst s0;
	s0 =	simm.s32 @!p2 $0x0  }
0x16: {  	s3 =	sld [smem:$0x3FDB];
	s0 =	simm.s32 @p2 $0x1  }
0x17: {  	s4 =	simm.s32 $0x1BF5;
	[smem:$0x3FA9] =	sst s0  }
0x18: {  	s0 =	sld [smem:$0x3F8C];
	_ =	swait.ge [sflag:s4], $0x0  }
0x19: {  	s7 =	sld [smem:$0x3F8D]  }
0x1a: {  	s8 =	sadd.s32 $0xFFFFE003, lr  }
0x1b: {  	s9 =	sadd.s32 $0xFFFFFEF7, lr;
	s5 =	simm.s32 $0xFFFFFFFF;
	p2 =	slt.u32 s8, $0xFFFFF086  }
0x1c: {  	p1 =	slt.u32 s9, $0xF7A;
	s5 =	simm.s32 @!p2 $0x0  }
0x1d: {  	s5 =	simm.s32 @p1 $0x1;
	p0 =	seq.s32 s7, s2  }
0x1e: {  	s7 =	smul.u32 @!p0 $0xF7A, s2;
	p2 =	seq.s32 @!p0 s5, $0x0  }
0x1f: {  	s9 =	smul.u32 $0xF7A, s1;
	s8 =	simm.s32 @!p0 $0x1BF5;
	p2 =	por !p2, p0  }
0x20: {  	[sflag:s8] =	ssyncset.s32 @!p0 $0xFFFFF086;
	s6 =	sadd.s32 @!p0 s3, s7;
	s7 =	simm.s32 @!p0 $0x108  }
0x21: {  	s3 =	sadd.s32 s3, s9;
	s6 =	sadd.s32 @!p0 $0x88, s6;
	s7 =	simm.s32 @p2 $0x1082  }
0x22: {  	[simem:s7], [sflag:s8] =	dma.local @!p0 [hbm:s6], $0xF7A  }
0x23: {  	s9 =	sor.u32 $0xD0000000, s2;
	s6 =	simm.s32 $0x108;
	_ =	swait.ge @!p0 [sflag:s8], $0x0  }
0x24: {  	s3 =	sadd.s32 $0x88, s3;
	s6 =	simm.s32 @!p1 $0x1082;
	[sflag:s4] =	ssyncset.s32 $0xFFFFF086  }
0x25: {  	[simem:s6], [sflag:s4] =	dma.local [hbm:s3], $0xF7A  }
0x26: {  	[smem:$0x3F8D] =	sst s1;
	(tag) =	ssettag s2;
	_ =	strace s9  }
0x27: {  	s1 =	sld [smem:$0x3F9D]  }
0x28: {  	s2 =	sld [smem:$0x3F9E]  }
0x29: {  	s4 =	sld [smem:$0x3FA0]  }
0x2a: {  	p0 =	seq.s32 s5, $0x0;
	s5 =	sld [smem:$0x3FA1]  }
0x2b: {  	s6 =	sld [smem:$0x3FA2]  }
0x2c: {  	s7 =	sld [smem:$0x3FA3]  }
0x2d: {  	s3 =	simm.s32 $0x108;
	s8 =	sld [smem:$0x3FA4]  }
0x2e: {  	s3 =	simm.s32 @!p0 $0x1082;
	s9 =	sld [smem:$0x3FA5]  }
0x2f: {  	lr =	sadd.s32 s0, s3;
	s0 =	sld [smem:$0x3F9C]  }
0x30: {  	s3 =	sld [smem:$0x3F9F]  }
0x31: {  	[smem:$0x3FA8] =	sst s10  }
0x32: {  	s10 =	sld [smem:$0x3FA6];
	_ =	sdelay $0x3  }
0x33: {  	p0 =	seq.s32 s10, $0x1;
	s10 =	sld [smem:$0x3FA8];
	_ =	sdelay $0x3  }
0x34: {  	[smem:$0x3FA8] =	sst s10  }
0x35: {  	s10 =	sld [smem:$0x3FA7];
	_ =	sdelay $0x3  }
0x36: {  	p1 =	seq.s32 s10, $0x1;
	s10 =	sld [smem:$0x3FA8];
	_ =	sdelay $0x3  }
0x37: {  	[smem:$0x3FA8] =	sst s10  }
0x38: {  	s10 =	sld [smem:$0x3FA9]  }
0x39: {  	_ = 	snop;
	(pc) =	sbr.ind lr, $3  }
0x3a: {  	_ = 	snop  }
0x3b: {  	_ = 	snop  }
0x3c: {  	p2 =	seq.s32 s10, $0x1;
	s10 =	sld [smem:$0x3FA8]  }
0x3d: {  	_ =	shalt  }
0x3e: {  	_ =	shalt  }
0x3f: {  	_ =	shalt  }
0x40: {  	_ =	shalt  }
0x41: {  	_ =	shalt  }
0x42: {  	_ =	shalt  }
0x43: {  	_ =	shalt  }
0x44: {  	_ =	shalt  }
0x45: {  	_ =	shalt  }
0x46: {  	_ =	shalt  }
0x47: {  	_ =	shalt  }
0x48: {  	_ =	shalt  }
0x49: {  	_ =	shalt  }
0x4a: {  	_ =	shalt  }
0x4b: {  	_ =	shalt  }
0x4c: {  	_ =	shalt  }
0x4d: {  	_ =	shalt  }
0x4e: {  	_ =	shalt  }
0x4f: {  	_ =	shalt  }
0x50: {  	_ =	shalt  }
0x51: {  	_ =	shalt  }
0x52: {  	_ =	shalt  }
0x53: {  	_ =	shalt  }
0x54: {  	_ =	shalt  }
0x55: {  	_ =	shalt  }
0x56: {  	_ =	shalt  }
0x57: {  	_ =	shalt  }
0x58: {  	_ =	shalt  }
0x59: {  	_ =	shalt  }
0x5a: {  	_ =	shalt  }
0x5b: {  	_ =	shalt  }
0x5c: {  	_ =	shalt  }
0x5d: {  	_ =	shalt  }
0x5e: {  	_ =	shalt  }
0x5f: {  	_ =	shalt  }
0x60: {  	_ =	shalt  }
0x61: {  	_ =	shalt  }
0x62: {  	_ =	shalt  }
0x63: {  	_ =	shalt  }
0x64: {  	_ =	shalt  }
0x65: {  	_ =	shalt  }
0x66: {  	_ =	shalt  }
0x67: {  	_ =	shalt  }
0x68: {  	_ =	shalt  }
0x69: {  	_ =	shalt  }
0x6a: {  	_ =	shalt  }
0x6b: {  	_ =	shalt  }
0x6c: {  	_ =	shalt  }
0x6d: {  	_ =	shalt  }
0x6e: {  	_ =	shalt  }
0x6f: {  	_ =	shalt  }
0x70: {  	_ =	shalt  }
0x71: {  	_ =	shalt  }
0x72: {  	_ =	shalt  }
0x73: {  	_ =	shalt  }
0x74: {  	_ =	shalt  }
0x75: {  	_ =	shalt  }
0x76: {  	_ =	shalt  }
0x77: {  	_ =	shalt  }
0x78: {  	_ =	shalt  }
0x79: {  	_ =	shalt  }
0x7a: {  	_ =	shalt  }
0x7b: {  	_ =	shalt  }
0x7c: {  	_ =	shalt  }
0x7d: {  	_ =	shalt  }
0x7e: {  	_ =	shalt  }
0x7f: {  	_ =	shalt  }
0x80: {  	_ =	shalt  }
0x81: {  	_ =	shalt  }
0x82: {  	_ =	shalt  }
0x83: {  	_ =	shalt  }
0x84: {  	_ =	shalt  }
0x85: {  	_ =	shalt  }
0x86: {  	_ =	shalt  }
0x87: {  	_ =	shalt  }
.Lfunc_end0:
.L_simem_size_0:
called_computation.1_lowered:
.L_overlay_start_0:
0x88: {  	s2 =	sld [smem:$0x3FD9]  }
0x89: {  	s3 =	sld [smem:$0x3FFE];
	_ =	sdelay $0x1  }
0x8a: {  	s1 =	srdreg.scid  }
0x8b: {  	s0 =	sand.u32 $0x1, s1  }
0x8c: {  	s17 =	sshll.u32 s0, $0xA;
	s2 =	sadd.s32 s3, s2  }
0x8d: {  	s2 =	sadd.s32 s2, s17  }
0x8e: {  	[smem:$0x3FB4] =	sst s2  }
0x8f: {  	_ = 	snop  }
0x90: {  	s18 =	sld [smem:$0x3FBE];
	(tm) =	ssettm $0x1  }
0x91: {  	s19 =	sld [smem:$0x3FFB];
	_ =	sdelay $0x3  }
0x92: {  	_ =	strace s19  }
0x93: {  	s2 =	sld [smem:$0x3FFC];
	_ =	sdelay $0x3  }
0x94: {  	_ =	strace s2  }
0x95: {  	s2 =	sld [smem:$0x3FFD];
	_ =	sdelay $0x3  }
0x96: {  	_ =	strace s2  }
0x97: {  	_ =	strace $0x8FFFFFFF  }
0x98: {  	s20 =	sld [smem:$0x3FDB];
	_ =	sdelay $0x1  }
0x99: {  	s4 =	simm.s32 $_scs_section_size  }
0x9a: {  	s5 =	simm.s32 $_size__tile_overlayer_lowered;
	s6 =	simm.s32 $_tile_overlayer_lowered  }
0x9b: {  	s7 =	simm.s32 $0x1BFF;
	s21 =	sshll.u32 s6, $0x1;
	s4 =	sadd.s32 s4, s20  }
0x9c: {  	s22 =	simm.s32 $0x0;
	s5 =	sshll.u32 s5, $0x1;
	s6 =	sadd.s32 s21, s4  }
0x9d: {  	[timem:s22], [sflag:s7] =	dma.local [hbm:s6], s5  }
0x9e: {  	_ =	swait.ge [sflag:s7], s5  }
0x9f: {  	s5 =	ssub.s32 $0x0, s5;
	[sflag:s7] =	ssyncset.done $0x0  }
0xa0: {  	[sflag:s7] =	ssyncadd.s32 s5;
	_ =	sdelay $0x1  }
0xa1: {  	s23 =	simm.s32 $0x1B8B  }
0xa2: {  	_ =	swait.ge [sflag:s23], $0x1  }
0xa3: {  	[sflag:s23] =	ssyncset.done $0x0  }
0xa4: {  	[sflag:s23] =	ssyncadd.s32 $0xFFFFFFFF  }
0xa5: {  	s5 =	sld [smem:$0x0]  }
0xa6: {  	s6 =	sand.u32 $0xFFFFFFFE, s1  }
0xa7: {  	p0 =	sne.s32 s1, s6  }
0xa8: {  	s6 =	sshll.u32 @p0 s6, $0xE  }
0xa9: {  	s6 =	sadd.s32 @p0 $0x11B8D, s6;
	s7 =	sshll.u32 @p0 s5, $0x11  }
0xaa: {  	s6 =	sor.u32 @p0 s7, s6  }
0xab: {  	[sflag:s6] =	ssyncadd.remote.s32 @p0 $0x1;
	_ =	sdelay $0x1  }
0xac: {  	s6 =	simm.s32 @p0 $0x1B8D  }
0xad: {  	_ =	swait.eq @p0 [sflag:s6], $0x1  }
0xae: {  	[sflag:s6] =	ssyncadd.s32 @p0 $0xFFFFFFFF  }
0xaf: {  	s7 =	sshll.u32 @!p0 s1, $0xE  }
0xb0: {  	s7 =	sor.u32 @!p0 $0x4000, s7;
	s6 =	simm.s32 @!p0 $0x1B8D  }
0xb1: {  	s5 =	sshll.u32 @!p0 s5, $0x11;
	s7 =	sadd.s32 @!p0 $0x11B8D, s7;
	_ =	swait.eq @!p0 [sflag:s6], $0x1  }
0xb2: {  	s5 =	sor.u32 @!p0 s5, s7;
	[sflag:s6] =	ssyncadd.s32 @!p0 $0xFFFFFFFF  }
0xb3: {  	s25 =	simm.s32 $0x1B8E;
	s24 =	sld [smem:$0x3FFE];
	[sflag:s5] =	ssyncadd.remote.s32 @!p0 $0x1  }
0xb4: {  	s26 =	simm.s32 $execute0_lowered;
	[smem:$0x3FD2] =	sst s25  }
0xb5: {  	s6 =	sshll.u32 s26, $0x1;
	_ =	strace $0x80000049;
	[dreg:$0x1] =	wrdreg $0xFFFFFFFF  }
0xb6: {  	s28 =	simm.s32 $_size_execute0_lowered;
	s4 =	sadd.s32 s4, s6;
	[dreg:$0x0] =	wrdreg $0x0  }
0xb7: {  	s6 =	sshll.u32 s28, $0x1;
	[dreg:$0x2] =	wrdreg s4  }
0xb8: {  	[dreg:$0x3] =	wrdreg s6  }
0xb9: {  	[dreg:$0x4] =	wrdreg $0xC0  }
0xba: {  	_ =	task [dreg:s22], $0x5FFFF  }
0xbb: {  	[dreg:$0x1] =	wrdreg $0xFFFFFFFF  }
0xbc: {  	[dreg:$0x0] =	wrdreg $0x60  }
0xbd: {  	[dreg:$0x2] =	wrdreg s24  }
0xbe: {  	[dreg:$0x3] =	wrdreg s18  }
0xbf: {  	[dreg:$0x4] =	wrdreg $0xA  }
0xc0: {  	_ =	task.clear_ibuf [dreg:s22], $0x5FFFF;
	_ =	strace $0x90000049  }
0xc1: {  	s29 =	simm.s32 $0xA;
	_ =	strace $0x8000004B  }
0xc2: {  	_ =	swait.ge [sflag:s29], $0x1  }
0xc3: {  	[sflag:s29] =	ssyncadd.s32 $0xFFFFFFFF  }
0xc4: {  	_ =	strace $0x9000004B  }
0xc5: {  	_ =	sfence  }
0xc6: {  	s30 =	sld [smem:$0x0];
	_ =	sdelay $0x2  }
0xc7: {  	s31 =	sshll.u32 s1, $0xD;
	s1 =	sshrl.u32 s1, $0x2  }
0xc8: {  	s4 =	sand.u32 $0x4000, s31;
	s1 =	sadd.s32 s1, s30  }
0xc9: {  	s0 =	sor.u32 s4, s0;
	s1 =	sshll.u32 s1, $0x11  }
0xca: {  	s0 =	sor.u32 s1, s0  }
0xcb: {  	s0 =	sadd.s32 $0x8F2B, s0  }
0xcc: {  	[sflag:s0] =	ssyncadd.remote.s32 $0x1  }
0xcd: {  	_ =	sfence.sel $0xFFFF  }
0xce: {  	[dreg:$0x0] =	wrdreg $0xFFFFFFFF;
	(pc) =	sbr.abs _section_cstart, $3  }
0xcf: {  	[dreg:$0x1] =	wrdreg $0xFFFFFFFF  }
0xd0: {  	_ =	task.clear_ibuf [dreg:s22], $0x2FFFF;
	_ =	strace $0x9FFFFFFF  }
0xd1: {  	(tm) =	ssettm $0x7FFFFFFF  }
tec
execute0_lowered:
.L_overlay_start_1:
0x0: {  	(tag) =	ssettag $0x1  }
0x1: {  	s4 =	rddreg [dreg:$0x0]  }
0x2: {  	s5 =	rddreg [dreg:$0x1]  }
0x3: {  	s0 =	rddreg [dreg:$0x2]  }
0x4: {  	s2 =	simm.s32 $0x0;
	s3 =	srdreg.scid;
	s1 =	stileid.u32  }
0x5: {  	s11 =	simm.s32 $0x1900;
	s12 =	simm.s32 $0x3900;
	s13 =	simm.s32 $0x4580  }
0x6: {  	s14 =	simm.s32 $0x0;
	[smem:$0x7FF] =	sst s2;
	s6 =	sand.u32 $0x1, s3  }
0x7: {  	s3 =	sadd.s32 $0x2A00, s4;
	s8 =	sshll.u32 s1, $0x1;
	s9 =	sadd.s32 $0x3A00, s4  }
0x8: {  	s30 =	sshll.u32 s1, $0xB;
	s7 =	ssub.s32 $0x2, s6;
	s6 =	sor.u32 s6, s8  }
0x9: {  	_ =	strace $0x8000004A;
	s4 =	sand.u32 $0x6000, s30;
	s8 =	smul.u32 $0xC40, s6  }
0xa: {  	s29 =	sshrl.u32 s7, $0x1;
	s10 =	sshll.u32 s6, $0x4;
	s6 =	smul.u32 $0x188, s6  }
0xb: {  	s4 =	sadd.s32 s5, s4;
	s7 =	ssub.s32 s7, s29;
	s10 =	sand.u32 $0x70, s10  }
0xc: {  	s8 =	sshrl.u32 s8, $0x3;
	s4 =	sadd.s32 s10, s4;
	s5 =	sadd.s32 s9, s6  }
0xd: {  	s7 =	smax.u32 s7, $0x1;
	s10 =	simm.s32 $0x400;
	s31 =	sadd.s32 s9, s8  }
0xe: {  	s8 =	simm.s32 $0x1;
	s9 =	simm.s32 $0x80;
	s6 =	sadd.s32 $0x3100, s31  }
.LBB2_1:
0xf: {  	[tilespmem:s2], [sflag:$0x1] =	stream.linear.gather [hbm4b:s3+s2], $0x1900, $0x38;
	[tilespmem:$0x5200] =	vst v63  }
0x10: {  	_ =	swait.ge [sflag:s8], $0x1900  }
0x11: {  	[sflag:s8] =	ssyncset.done $0x0  }
0x12: {  	[sflag:s8] =	ssyncadd.s32 $0xFFFFE700  }
0x13: {  	[tilespmem:s11], [sflag:$0x1] =	stream.strided.gather [hbm4b:s4+s9], $0x2000, s10, s9, $0x38;
	[tilespmem:$0x5200] =	vst v63  }
0x14: {  	_ =	swait.ge [sflag:s8], $0x2000  }
0x15: {  	s15 =	simm.s32 $0xFFFFFFF8;
	[sflag:s8] =	ssyncset.done $0x0  }
0x16: {  	s16 =	simm.s32 $0x40;
	s17 =	simm.s32 $0x3940;
	[sflag:s8] =	ssyncadd.s32 $0xFFFFE000  }
.LBB2_2:
0x17: {  	v0 =	vld [tilespmem:s16+$0xFFFFFFC0];
	_ =	sdelay $0x7  }
0x18: {  	v0 =	vld.idx.msk [tilespmem:v0+s11+$0x0], $0xffff;
	_ =	sdelay $0x4  }
0x19: {  	[tilespmem:s17+$0xFFFFFFC0] =	vst v0  }
0x1a: {  	v0 =	vld [tilespmem:s16+$0xFFFFFFD0];
	_ =	sdelay $0x7  }
0x1b: {  	v0 =	vld.idx.msk [tilespmem:v0+s11+$0x0], $0xffff;
	_ =	sdelay $0x4  }
0x1c: {  	[tilespmem:s17+$0xFFFFFFD0] =	vst v0  }
0x1d: {  	v0 =	vld [tilespmem:s16+$0xFFFFFFE0];
	_ =	sdelay $0x7  }
0x1e: {  	v0 =	vld.idx.msk [tilespmem:v0+s11+$0x0], $0xffff;
	_ =	sdelay $0x4  }
0x1f: {  	[tilespmem:s17+$0xFFFFFFE0] =	vst v0  }
0x20: {  	v0 =	vld [tilespmem:s16+$0xFFFFFFF0];
	_ =	sdelay $0x7  }
0x21: {  	v0 =	vld.idx.msk [tilespmem:v0+s11+$0x0], $0xffff;
	_ =	sdelay $0x4  }
0x22: {  	[tilespmem:s17+$0xFFFFFFF0] =	vst v0  }
0x23: {  	v0 =	vld [tilespmem:s16+$0x0];
	_ =	sdelay $0x7  }
0x24: {  	v0 =	vld.idx.msk [tilespmem:v0+s11+$0x0], $0xffff;
	_ =	sdelay $0x4  }
0x25: {  	[tilespmem:s17+$0x0] =	vst v0  }
0x26: {  	v0 =	vld [tilespmem:s16+$0x10];
	_ =	sdelay $0x7  }
0x27: {  	v0 =	vld.idx.msk [tilespmem:v0+s11+$0x0], $0xffff;
	_ =	sdelay $0x4  }
0x28: {  	[tilespmem:s17+$0x10] =	vst v0  }
0x29: {  	v0 =	vld [tilespmem:s16+$0x20];
	_ =	sdelay $0x7  }
0x2a: {  	v0 =	vld.idx.msk [tilespmem:v0+s11+$0x0], $0xffff;
	_ =	sdelay $0x4  }
0x2b: {  	[tilespmem:s17+$0x20] =	vst v0  }
0x2c: {  	v0 =	vld [tilespmem:s16+$0x30];
	_ =	sdelay $0x6  }
0x2d: {  	s15 =	sadd.s32 $0x8, s15  }
0x2e: {  	p0 =	slt.u32 s15, $0x188;
	v0 =	vld.idx.msk [tilespmem:v0+s11+$0x0], $0xffff  }
.Ltmp0:
0x2f: {  	_ = 	snop;
	(pc) =	sbr.rel @p0 .LBB2_2-.Ltmp0, $2  }
0x30: {  	_ =	sdelay $0x2  }
0x31: {  	s16 =	sadd.s32 $0x80, s16;
	[tilespmem:s17+$0x30] =	vst v0;
	s17 =	sadd.s32 $0x80, s17  }
0x32: {  	[hbm4b:s5+s2] =	stream.linear.scatter [tilespmem:s12], [sflag:$0x1], $0xC40, $0x38;
	[tilespmem:$0x5200] =	vst v63  }
0x33: {  	s14 =	sadd.s32 $0x1, s14;
	_ =	swait.ge [sflag:s8], $0xC40  }
0x34: {  	p0 =	sne.s32 s14, s7;
	[sflag:s8] =	ssyncset.done $0x0  }
.Ltmp1:
0x35: {  	[sflag:s8] =	ssyncadd.s32 $0xFFFFF3C0;
	(pc) =	sbr.rel @p0 .LBB2_1-.Ltmp1, $4  }
0x36: {  	[hbm4b:s6+s2] =	stream.linear.scatter [tilespmem:s13], [sflag:$0x1], $0xC40, $0x38;
	[tilespmem:$0x5200] =	vst v63  }
0x37: {  	_ =	swait.ge [sflag:s8], $0xC40  }
0x38: {  	[sflag:s8] =	ssyncset.done $0x0  }
0x39: {  	[sflag:s8] =	ssyncadd.s32 $0xFFFFF3C0  }
0x3a: {  	_ =	sfence.sel $0x180000  }
0x3b: {  	[bflag:$0x0] =	sbarrier.arrive $0xFFFF  }
0x3c: {  	p0 =	sne.s32 s1, $0x0;
	_ =	strace $0x9000004A  }
0x3d: {  	s0 =	sadd.s32 @!p0 $0x100000, s0;
	[bflag:$0x2] =	sbarrier.arrive $0xFFFF  }
0x3e: {  	[sflag:s0] =	ssyncadd.tile.s32 @!p0 $0x1;
	_ =	shalt  }
.Lfunc_end2:
_tile_overlayer_lowered:
.L_overlay_start_2:
0x3f: {  	(tag) =	ssettag $0x2  }
0x40: {  	s0 =	rddreg [dreg:$0x0];
	s2 =	stileid.u32  }
0x41: {  	s1 =	rddreg [dreg:$0x1];
	p0 =	sne.s32 s2, $0x0  }
0x42: {  	s3 =	rddreg [dreg:$0x2];
	[bflag:$0x3] =	sbarrier.arrive $0xFFFF;
	s2 =	simm.s32 @!p0 $0x1C01  }
0x43: {  	[timem:s3], [sflag:s2] =	dma.local @!p0 [hbm:s0], s1  }
0x44: {  	s0 =	simm.s32 @!p0 $0x1  }
0x45: {  	_ =	swait.ge @!p0 [sflag:s0], s1  }
0x46: {  	s1 =	ssub.s32 @!p0 $0x0, s1;
	[sflag:s0] =	ssyncset.done @!p0 $0x0  }
0x47: {  	[sflag:s0] =	ssyncadd.s32 @!p0 s1  }
0x48: {  	[bflag:$0x3] =	sbarrier.arrive $0xFFFF  }
0x49: {  	_ =	shalt  }

// kernel: scatter_offload_async_start
scs
__scs_entry_jumppad:
0x0: {  	(pc) =	sbr.rel $0x88, $3  }
0x1: {  	(tag) =	ssettag $0x0;
	lr =	simm.s32 $0x1  }
0x2: {  	[smem:$0x3F8D] =	sst lr;
	_ =	strace $0xD0000000  }
0x3: {  	_ = 	snop  }
0x4: {  	_ = 	snop  }
0x5: {  	_ = 	snop  }
0x6: {  	_ = 	snop  }
0x7: {  	_ = 	snop  }
__scs_overlays_trampoline_lowered:
0x8: {  	[smem:$0x3F9C] =	sst s0  }
0x9: {  	[smem:$0x3F9D] =	sst s1  }
0xa: {  	[smem:$0x3F9E] =	sst s2  }
0xb: {  	[smem:$0x3F9F] =	sst s3  }
0xc: {  	[smem:$0x3FA0] =	sst s4  }
0xd: {  	[smem:$0x3FA1] =	sst s5  }
0xe: {  	[smem:$0x3FA2] =	sst s6  }
0xf: {  	[smem:$0x3FA3] =	sst s7  }
0x10: {  	[smem:$0x3FA4] =	sst s8  }
0x11: {  	[smem:$0x3FA5] =	sst s9;
	s0 =	simm.s32 @!p0 $0x0  }
0x12: {  	s1 =	sld [smem:$0x3F8B];
	s0 =	simm.s32 @p0 $0x1  }
0x13: {  	[smem:$0x3FA6] =	sst s0;
	s0 =	simm.s32 @!p1 $0x0  }
0x14: {  	s2 =	sld [smem:$0x3F8A];
	s0 =	simm.s32 @p1 $0x1  }
0x15: {  	[smem:$0x3FA7] =	sst s0;
	s0 =	simm.s32 @!p2 $0x0  }
0x16: {  	s3 =	sld [smem:$0x3FDB];
	s0 =	simm.s32 @p2 $0x1  }
0x17: {  	s4 =	simm.s32 $0x1BF5;
	[smem:$0x3FA9] =	sst s0  }
0x18: {  	s0 =	sld [smem:$0x3F8C];
	_ =	swait.ge [sflag:s4], $0x0  }
0x19: {  	s7 =	sld [smem:$0x3F8D]  }
0x1a: {  	s8 =	sadd.s32 $0xFFFFE003, lr  }
0x1b: {  	s9 =	sadd.s32 $0xFFFFFEF7, lr;
	s5 =	simm.s32 $0xFFFFFFFF;
	p2 =	slt.u32 s8, $0xFFFFF086  }
0x1c: {  	p1 =	slt.u32 s9, $0xF7A;
	s5 =	simm.s32 @!p2 $0x0  }
0x1d: {  	s5 =	simm.s32 @p1 $0x1;
	p0 =	seq.s32 s7, s2  }
0x1e: {  	s7 =	smul.u32 @!p0 $0xF7A, s2;
	p2 =	seq.s32 @!p0 s5, $0x0  }
0x1f: {  	s9 =	smul.u32 $0xF7A, s1;
	s8 =	simm.s32 @!p0 $0x1BF5;
	p2 =	por !p2, p0  }
0x20: {  	[sflag:s8] =	ssyncset.s32 @!p0 $0xFFFFF086;
	s6 =	sadd.s32 @!p0 s3, s7;
	s7 =	simm.s32 @!p0 $0x108  }
0x21: {  	s3 =	sadd.s32 s3, s9;
	s6 =	sadd.s32 @!p0 $0x88, s6;
	s7 =	simm.s32 @p2 $0x1082  }
0x22: {  	[simem:s7], [sflag:s8] =	dma.local @!p0 [hbm:s6], $0xF7A  }
0x23: {  	s9 =	sor.u32 $0xD0000000, s2;
	s6 =	simm.s32 $0x108;
	_ =	swait.ge @!p0 [sflag:s8], $0x0  }
0x24: {  	s3 =	sadd.s32 $0x88, s3;
	s6 =	simm.s32 @!p1 $0x1082;
	[sflag:s4] =	ssyncset.s32 $0xFFFFF086  }
0x25: {  	[simem:s6], [sflag:s4] =	dma.local [hbm:s3], $0xF7A  }
0x26: {  	[smem:$0x3F8D] =	sst s1;
	(tag) =	ssettag s2;
	_ =	strace s9  }
0x27: {  	s1 =	sld [smem:$0x3F9D]  }
0x28: {  	s2 =	sld [smem:$0x3F9E]  }
0x29: {  	s4 =	sld [smem:$0x3FA0]  }
0x2a: {  	p0 =	seq.s32 s5, $0x0;
	s5 =	sld [smem:$0x3FA1]  }
0x2b: {  	s6 =	sld [smem:$0x3FA2]  }
0x2c: {  	s7 =	sld [smem:$0x3FA3]  }
0x2d: {  	s3 =	simm.s32 $0x108;
	s8 =	sld [smem:$0x3FA4]  }
0x2e: {  	s3 =	simm.s32 @!p0 $0x1082;
	s9 =	sld [smem:$0x3FA5]  }
0x2f: {  	lr =	sadd.s32 s0, s3;
	s0 =	sld [smem:$0x3F9C]  }
0x30: {  	s3 =	sld [smem:$0x3F9F]  }
0x31: {  	[smem:$0x3FA8] =	sst s10  }
0x32: {  	s10 =	sld [smem:$0x3FA6];
	_ =	sdelay $0x3  }
0x33: {  	p0 =	seq.s32 s10, $0x1;
	s10 =	sld [smem:$0x3FA8];
	_ =	sdelay $0x3  }
0x34: {  	[smem:$0x3FA8] =	sst s10  }
0x35: {  	s10 =	sld [smem:$0x3FA7];
	_ =	sdelay $0x3  }
0x36: {  	p1 =	seq.s32 s10, $0x1;
	s10 =	sld [smem:$0x3FA8];
	_ =	sdelay $0x3  }
0x37: {  	[smem:$0x3FA8] =	sst s10  }
0x38: {  	s10 =	sld [smem:$0x3FA9]  }
0x39: {  	_ = 	snop;
	(pc) =	sbr.ind lr, $3  }
0x3a: {  	_ = 	snop  }
0x3b: {  	_ = 	snop  }
0x3c: {  	p2 =	seq.s32 s10, $0x1;
	s10 =	sld [smem:$0x3FA8]  }
0x3d: {  	_ =	shalt  }
0x3e: {  	_ =	shalt  }
0x3f: {  	_ =	shalt  }
0x40: {  	_ =	shalt  }
0x41: {  	_ =	shalt  }
0x42: {  	_ =	shalt  }
0x43: {  	_ =	shalt  }
0x44: {  	_ =	shalt  }
0x45: {  	_ =	shalt  }
0x46: {  	_ =	shalt  }
0x47: {  	_ =	shalt  }
0x48: {  	_ =	shalt  }
0x49: {  	_ =	shalt  }
0x4a: {  	_ =	shalt  }
0x4b: {  	_ =	shalt  }
0x4c: {  	_ =	shalt  }
0x4d: {  	_ =	shalt  }
0x4e: {  	_ =	shalt  }
0x4f: {  	_ =	shalt  }
0x50: {  	_ =	shalt  }
0x51: {  	_ =	shalt  }
0x52: {  	_ =	shalt  }
0x53: {  	_ =	shalt  }
0x54: {  	_ =	shalt  }
0x55: {  	_ =	shalt  }
0x56: {  	_ =	shalt  }
0x57: {  	_ =	shalt  }
0x58: {  	_ =	shalt  }
0x59: {  	_ =	shalt  }
0x5a: {  	_ =	shalt  }
0x5b: {  	_ =	shalt  }
0x5c: {  	_ =	shalt  }
0x5d: {  	_ =	shalt  }
0x5e: {  	_ =	shalt  }
0x5f: {  	_ =	shalt  }
0x60: {  	_ =	shalt  }
0x61: {  	_ =	shalt  }
0x62: {  	_ =	shalt  }
0x63: {  	_ =	shalt  }
0x64: {  	_ =	shalt  }
0x65: {  	_ =	shalt  }
0x66: {  	_ =	shalt  }
0x67: {  	_ =	shalt  }
0x68: {  	_ =	shalt  }
0x69: {  	_ =	shalt  }
0x6a: {  	_ =	shalt  }
0x6b: {  	_ =	shalt  }
0x6c: {  	_ =	shalt  }
0x6d: {  	_ =	shalt  }
0x6e: {  	_ =	shalt  }
0x6f: {  	_ =	shalt  }
0x70: {  	_ =	shalt  }
0x71: {  	_ =	shalt  }
0x72: {  	_ =	shalt  }
0x73: {  	_ =	shalt  }
0x74: {  	_ =	shalt  }
0x75: {  	_ =	shalt  }
0x76: {  	_ =	shalt  }
0x77: {  	_ =	shalt  }
0x78: {  	_ =	shalt  }
0x79: {  	_ =	shalt  }
0x7a: {  	_ =	shalt  }
0x7b: {  	_ =	shalt  }
0x7c: {  	_ =	shalt  }
0x7d: {  	_ =	shalt  }
0x7e: {  	_ =	shalt  }
0x7f: {  	_ =	shalt  }
0x80: {  	_ =	shalt  }
0x81: {  	_ =	shalt  }
0x82: {  	_ =	shalt  }
0x83: {  	_ =	shalt  }
0x84: {  	_ =	shalt  }
0x85: {  	_ =	shalt  }
0x86: {  	_ =	shalt  }
0x87: {  	_ =	shalt  }
.Lfunc_end0:
.L_simem_size_0:
called_computation_lowered:
.L_overlay_start_0:
0x88: {  	s0 =	sld [smem:$0x3FD9]  }
0x89: {  	s1 =	sld [smem:$0x3FFE];
	_ =	sdelay $0x3  }
0x8a: {  	s0 =	sadd.s32 s1, s0  }
0x8b: {  	[smem:$0x3FB4] =	sst s0  }
0x8c: {  	_ = 	snop  }
0x8d: {  	(tm) =	ssettm $0x1  }
0x8e: {  	s15 =	sld [smem:$0x3FFB];
	_ =	sdelay $0x3  }
0x8f: {  	_ =	strace s15  }
0x90: {  	s0 =	sld [smem:$0x3FFC];
	_ =	sdelay $0x3  }
0x91: {  	_ =	strace s0  }
0x92: {  	s0 =	sld [smem:$0x3FFD];
	_ =	sdelay $0x3  }
0x93: {  	_ =	strace s0  }
0x94: {  	_ =	strace $0x8FFFFFFF  }
0x95: {  	s16 =	sld [smem:$0x3FDB];
	_ =	sdelay $0x1  }
0x96: {  	s17 =	simm.s32 $_scs_section_size  }
0x97: {  	s2 =	simm.s32 $_size__tile_overlayer_lowered;
	s3 =	simm.s32 $_tile_overlayer_lowered  }
0x98: {  	s20 =	simm.s32 $0x1BFF;
	s19 =	sshll.u32 s3, $0x1;
	s0 =	sadd.s32 s17, s16  }
0x99: {  	s4 =	simm.s32 $0x0;
	s18 =	sshll.u32 s2, $0x1;
	s2 =	sadd.s32 s19, s0  }
0x9a: {  	[timem:s4], [sflag:s20] =	dma.local [hbm:s2], s18  }
0x9b: {  	_ =	swait.ge [sflag:s20], s18  }
0x9c: {  	s1 =	ssub.s32 $0x0, s18;
	[sflag:s20] =	ssyncset.done $0x0  }
0x9d: {  	[sflag:s20] =	ssyncadd.s32 s1;
	_ =	sdelay $0x1  }
0x9e: {  	s21 =	simm.s32 $0x1B8B  }
0x9f: {  	_ =	swait.ge [sflag:s21], $0x1  }
0xa0: {  	[sflag:s21] =	ssyncset.done $0x0  }
0xa1: {  	s23 =	simm.s32 $0x1B8E;
	s22 =	sld [smem:$0x3FFE];
	[sflag:s21] =	ssyncadd.s32 $0xFFFFFFFF  }
0xa2: {  	s24 =	simm.s32 $execute0_lowered;
	[smem:$0x3FD2] =	sst s23  }
0xa3: {  	s2 =	sshll.u32 s24, $0x1;
	_ =	strace $0x80000046;
	[dreg:$0x1] =	wrdreg $0xFFFFFFFF  }
0xa4: {  	s25 =	simm.s32 $_size_execute0_lowered;
	s0 =	sadd.s32 s0, s2;
	[dreg:$0x0] =	wrdreg $0x0  }
0xa5: {  	s2 =	sshll.u32 s25, $0x1;
	[dreg:$0x2] =	wrdreg s0  }
0xa6: {  	[dreg:$0x3] =	wrdreg s2  }
0xa7: {  	[dreg:$0x4] =	wrdreg $0xC0  }
0xa8: {  	_ =	task [dreg:s4], $0x5FFFF  }
0xa9: {  	[dreg:$0x1] =	wrdreg $0xFFFFFFFF  }
0xaa: {  	[dreg:$0x0] =	wrdreg $0x60  }
0xab: {  	[dreg:$0x2] =	wrdreg s22  }
0xac: {  	[dreg:$0x3] =	wrdreg $0x9  }
0xad: {  	_ =	task.clear_ibuf [dreg:s4], $0x4FFFF;
	_ =	strace $0x90000046  }
0xae: {  	s26 =	simm.s32 $0x9;
	_ =	strace $0x80000048  }
0xaf: {  	_ =	swait.ge [sflag:s26], $0x1  }
0xb0: {  	[sflag:s26] =	ssyncadd.s32 $0xFFFFFFFF  }
0xb1: {  	_ =	strace $0x90000048  }
0xb2: {  	_ =	sfence  }
0xb3: {  	s28 =	sld [smem:$0x0];
	_ =	sdelay $0x1  }
0xb4: {  	s29 =	srdreg.scid  }
0xb5: {  	s30 =	sshll.u32 s29, $0xD;
	s31 =	sshrl.u32 s29, $0x2  }
0xb6: {  	s1 =	sand.u32 $0x1, s29;
	s2 =	sand.u32 $0x4000, s30;
	s0 =	sadd.s32 s31, s28  }
0xb7: {  	s1 =	sor.u32 s2, s1;
	s0 =	sshll.u32 s0, $0x11  }
0xb8: {  	s0 =	sor.u32 s0, s1  }
0xb9: {  	s0 =	sadd.s32 $0x8F2B, s0  }
0xba: {  	[sflag:s0] =	ssyncadd.remote.s32 $0x1  }
0xbb: {  	_ =	sfence.sel $0xFFFF  }
0xbc: {  	[dreg:$0x0] =	wrdreg $0xFFFFFFFF;
	(pc) =	sbr.abs _section_cstart, $3  }
0xbd: {  	[dreg:$0x1] =	wrdreg $0xFFFFFFFF  }
0xbe: {  	_ =	task.clear_ibuf [dreg:s4], $0x2FFFF;
	_ =	strace $0x9FFFFFFF  }
0xbf: {  	(tm) =	ssettm $0x7FFFFFFF  }
tec
execute0_lowered:
.L_overlay_start_1:
0x0: {  	(tag) =	ssettag $0x1  }
0x1: {  	s7 =	rddreg [dreg:$0x0]  }
0x2: {  	s0 =	rddreg [dreg:$0x1]  }
0x3: {  	_ =	strace $0x80000047;
	s3 =	stileid.u32;
	s5 =	simm.s32 $0x3E  }
0x4: {  	s1 =	sadd.s32 $0x3600, s7;
	p0 =	sne.s32 s3, $0x0;
	[sflag:s5] =	ssyncpa.u1 $0x0  }
0x5: {  	s29 =	smin.u32 s3, $0xC;
	s2 =	simm.s32 @!p0 $0x1C3E;
	s4 =	simm.s32 @!p0 $0x0  }
0x6: {  	[spmem:s4], [sflag:s2] =	dma.local @!p0 [hbm:s1], $0x400  }
0x7: {  	s2 =	sadd.s32 s3, s29  }
0x8: {  	p1 =	slt.u32 s3, $0xC;
	s3 =	simm.s32 $0x1C0;
	s2 =	smul.u32 $0xE0, s2  }
0x9: {  	s3 =	simm.s32 @!p1 $0xE0  }
0xa: {  	s3 =	sadd.s32 s3, s2  }
0xb: {  	s3 =	smin.u32 s3, $0x1880  }
0xc: {  	s6 =	ssub.s32 s3, s2  }
0xd: {  	p1 =	sgt.s32 s6, $0x0  }
0xe: {  	s6 =	simm.s32 @!p1 $0x0  }
0xf: {  	s30 =	sand.u32 $0xFFE0, s6  }
0x10: {  	s8 =	simm.s32 @!p0 $0x3E;
	s4 =	sshrl.u32 s30, $0x5  }
0x11: {  	_ =	swait.ge @!p0 [sflag:s8], $0x400;
	s4 =	smul.u32 $0x2493, s4  }
0x12: {  	[sflag:s8] =	ssyncset.done @!p0 $0x0  }
0x13: {  	s10 =	simm.s32 $0x0;
	[sflag:s8] =	ssyncadd.s32 @!p0 $0xFFFFFC00;
	s31 =	sshrl.u32 s4, $0x10  }
0x14: {  	s11 =	simm.s32 $0x0;
	[bflag:$0x0] =	sbarrier.arrive $0xFFFF;
	s9 =	smul.u32 $0xE0, s31  }
.Ltmp0:
0x15: {  	s12 =	smov.u32 s2;
	[sflag:s5] =	ssyncpa.u1 $0x1;
	(pc) =	sbr.rel .LBB2_1-.Ltmp0, $4  }
0x16: {  	s5 =	simm.s32 $0x1;
	p1 =	sne.s32 s6, s9;
	s9 =	simm.s32 $0x1  }
0x17: {  	[sflag:s5] =	ssyncpa.u1 $0x0;
	(ifvalue) =	ssetifvalue $0x2000;
	s9 =	simm.s32 @!p1 $0x0  }
0x18: {  	s4 =	sadd.s32 $0x2E00, s7;
	s6 =	simm.s32 $0x2;
	s8 =	sadd.s32 s31, s9  }
0x19: {  	vm0 =	vmmov $0xffff;
	s7 =	sadd.s32 $0x3200, s7;
	[sflag:s6] =	ssyncpa.u1 $0x0;
	s9 =	sadd.s32 $0x1, s8  }
.LBB2_3:
0x1a: {  	s11 =	sadd.s32 $0x1, s11  }
0x1b: {  	p2 =	sne.s32 s9, s11  }
.Ltmp1:
0x1c: {  	_ = 	snop;
	(pc) =	sbr.rel @!p2 .LBB2_4-.Ltmp1, $4  }
0x1d: {  	_ = 	snop  }
0x1e: {  	s13 =	sadd.s32 $0xE0, s12  }
0x1f: {  	s12 =	smov.u32 s2;
	p1 =	slt.s32 s13, s3  }
0x20: {  	s12 =	smov.u32 @p1 s13  }
.LBB2_1:
0x21: {  	p1 =	sge.u32 s11, s8  }
0x22: {  	s13 =	sxor.u32 @!p1 $0xFFFFFFFF, s11  }
0x23: {  	s13 =	sand.u32 @!p1 $0x1, s13  }
0x24: {  	s13 =	smul.u32 @!p1 $0xE0, s13  }
0x25: {  	s14 =	sshrl.u32 @!p1 s12, $0x3  }
0x26: {  	s17 =	sand.u32 @!p1 $0x7, s12;
	s15 =	sadd.s32 @!p1 s4, s14;
	s16 =	sor.u32 @!p1 $0x200, s13  }
0x27: {  	[tilespmem:s16], [sflag:$0x2] =	stream.linear.gather @!p1 [hbm4b:s15+s17], $0xE0, $0x38;
	[tilespmem:$0x580] =	vst v63  }
0x28: {  	s14 =	sadd.s32 @!p1 s7, s14;
	s13 =	sadd.s32 @!p1 $0x3C0, s13  }
0x29: {  	[tilespmem:s13], [sflag:$0x2] =	stream.linear.gather @!p1 [hbm4b:s14+s17], $0xE0, $0x38;
	[tilespmem:$0x580] =	vst v63  }
0x2a: {  	p1 =	seq.s32 s11, $0x0  }
.Ltmp2:
0x2b: {  	_ = 	snop;
	(pc) =	sbr.rel @p1 .LBB2_3-.Ltmp2, $1  }
0x2c: {  	_ =	sdelay $0x3  }
0x2d: {  	s13 =	sand.u32 $0x1, s11  }
0x2e: {  	_ =	swait.ge [sflag:s6], $0x1C0;
	p1 =	seq.s32 s13, $0x1;
	s13 =	simm.s32 $0xE0  }
0x2f: {  	[sflag:s6] =	ssyncset.done $0x0;
	s13 =	simm.s32 @!p1 $0x0  }
0x30: {  	[sflag:s6] =	ssyncadd.s32 $0xFFFFFE40;
	s14 =	sor.u32 $0x200, s13  }
0x31: {  	v0 =	vld.msk [tilespmem:s14+$0x0 ss:$0x1], $0xffff;
	_ =	sdelay $0x4  }
0x32: {  	v0 =	vmin.u32 v0, $0x2000;
	_ =	sdelay $0x3  }
0x33: {  	s17 =	sadd.s32 $0x3C0, s13;
	s18 =	sor.u32 $0x210, s13  }
0x34: {  	[spmem:s10] =	stream.indirect_vreg.scatter.add.s32 [tilespmem:s17], [sflag:$0x1], $0x1, v0, vm0, $0x4038;
	[tilespmem:$0x580] =	vst v63  }
0x35: {  	v0 =	vld.msk [tilespmem:s18+$0x0 ss:$0x1], $0xffff;
	_ =	sdelay $0x4  }
0x36: {  	v0 =	vmin.u32 v0, $0x2000;
	_ =	sdelay $0x3  }
0x37: {  	s19 =	sadd.s32 $0x3D0, s13  }
0x38: {  	[spmem:s10] =	stream.indirect_vreg.scatter.add.s32 [tilespmem:s19], [sflag:$0x1], $0x1, v0, vm0, $0x4038;
	[tilespmem:$0x580] =	vst v63  }
0x39: {  	v0 =	vld.msk [tilespmem:s13+$0x220 ss:$0x1], $0xffff;
	_ =	sdelay $0x4  }
0x3a: {  	v0 =	vmin.u32 v0, $0x2000;
	_ =	sdelay $0x3  }
0x3b: {  	s20 =	sadd.s32 $0x3E0, s13  }
0x3c: {  	[spmem:s10] =	stream.indirect_vreg.scatter.add.s32 [tilespmem:s20], [sflag:$0x1], $0x1, v0, vm0, $0x4038;
	[tilespmem:$0x580] =	vst v63  }
0x3d: {  	v0 =	vld.msk [tilespmem:s13+$0x230 ss:$0x1], $0xffff;
	_ =	sdelay $0x4  }
0x3e: {  	v0 =	vmin.u32 v0, $0x2000;
	_ =	sdelay $0x3  }
0x3f: {  	s21 =	sadd.s32 $0x3F0, s13  }
0x40: {  	[spmem:s10] =	stream.indirect_vreg.scatter.add.s32 [tilespmem:s21], [sflag:$0x1], $0x1, v0, vm0, $0x4038;
	[tilespmem:$0x580] =	vst v63  }
0x41: {  	v0 =	vld.msk [tilespmem:s13+$0x240 ss:$0x1], $0xffff;
	_ =	sdelay $0x4  }
0x42: {  	v0 =	vmin.u32 v0, $0x2000;
	_ =	sdelay $0x3  }
0x43: {  	s22 =	sor.u32 $0x400, s13  }
0x44: {  	[spmem:s10] =	stream.indirect_vreg.scatter.add.s32 [tilespmem:s22], [sflag:$0x1], $0x1, v0, vm0, $0x4038;
	[tilespmem:$0x580] =	vst v63  }
0x45: {  	v0 =	vld.msk [tilespmem:s13+$0x250 ss:$0x1], $0xffff;
	_ =	sdelay $0x4  }
0x46: {  	v0 =	vmin.u32 v0, $0x2000;
	_ =	sdelay $0x3  }
0x47: {  	s23 =	sor.u32 $0x410, s13  }
0x48: {  	[spmem:s10] =	stream.indirect_vreg.scatter.add.s32 [tilespmem:s23], [sflag:$0x1], $0x1, v0, vm0, $0x4038;
	[tilespmem:$0x580] =	vst v63  }
0x49: {  	v0 =	vld.msk [tilespmem:s13+$0x260 ss:$0x1], $0xffff;
	_ =	sdelay $0x4  }
0x4a: {  	v0 =	vmin.u32 v0, $0x2000;
	_ =	sdelay $0x3  }
0x4b: {  	s24 =	sadd.s32 $0x420, s13  }
0x4c: {  	[spmem:s10] =	stream.indirect_vreg.scatter.add.s32 [tilespmem:s24], [sflag:$0x1], $0x1, v0, vm0, $0x4038;
	[tilespmem:$0x580] =	vst v63  }
0x4d: {  	v0 =	vld.msk [tilespmem:s13+$0x270 ss:$0x1], $0xffff;
	_ =	sdelay $0x4  }
0x4e: {  	v0 =	vmin.u32 v0, $0x2000;
	_ =	sdelay $0x3  }
0x4f: {  	s25 =	sadd.s32 $0x430, s13  }
0x50: {  	[spmem:s10] =	stream.indirect_vreg.scatter.add.s32 [tilespmem:s25], [sflag:$0x1], $0x1, v0, vm0, $0x4038;
	[tilespmem:$0x580] =	vst v63  }
0x51: {  	v0 =	vld.msk [tilespmem:s13+$0x280 ss:$0x1], $0xffff;
	_ =	sdelay $0x4  }
0x52: {  	v0 =	vmin.u32 v0, $0x2000;
	_ =	sdelay $0x3  }
0x53: {  	s26 =	sadd.s32 $0x440, s13  }
0x54: {  	[spmem:s10] =	stream.indirect_vreg.scatter.add.s32 [tilespmem:s26], [sflag:$0x1], $0x1, v0, vm0, $0x4038;
	[tilespmem:$0x580] =	vst v63  }
0x55: {  	v0 =	vld.msk [tilespmem:s13+$0x290 ss:$0x1], $0xffff;
	_ =	sdelay $0x4  }
0x56: {  	v0 =	vmin.u32 v0, $0x2000;
	_ =	sdelay $0x3  }
0x57: {  	s28 =	sadd.s32 $0x450, s13  }
0x58: {  	[spmem:s10] =	stream.indirect_vreg.scatter.add.s32 [tilespmem:s28], [sflag:$0x1], $0x1, v0, vm0, $0x4038;
	[tilespmem:$0x580] =	vst v63  }
0x59: {  	v0 =	vld.msk [tilespmem:s13+$0x2A0 ss:$0x1], $0xffff;
	_ =	sdelay $0x4  }
0x5a: {  	v0 =	vmin.u32 v0, $0x2000;
	_ =	sdelay $0x3  }
0x5b: {  	s29 =	sadd.s32 $0x460, s13  }
0x5c: {  	[spmem:s10] =	stream.indirect_vreg.scatter.add.s32 [tilespmem:s29], [sflag:$0x1], $0x1, v0, vm0, $0x4038;
	[tilespmem:$0x580] =	vst v63  }
0x5d: {  	v0 =	vld.msk [tilespmem:s13+$0x2B0 ss:$0x1], $0xffff;
	_ =	sdelay $0x4  }
0x5e: {  	v0 =	vmin.u32 v0, $0x2000;
	_ =	sdelay $0x3  }
0x5f: {  	s30 =	sadd.s32 $0x470, s13  }
0x60: {  	[spmem:s10] =	stream.indirect_vreg.scatter.add.s32 [tilespmem:s30], [sflag:$0x1], $0x1, v0, vm0, $0x4038;
	[tilespmem:$0x580] =	vst v63  }
0x61: {  	v0 =	vld.msk [tilespmem:s13+$0x2C0 ss:$0x1], $0xffff;
	_ =	sdelay $0x4  }
0x62: {  	v0 =	vmin.u32 v0, $0x2000;
	_ =	sdelay $0x3  }
0x63: {  	s31 =	sadd.s32 $0x480, s13  }
0x64: {  	[spmem:s10] =	stream.indirect_vreg.scatter.add.s32 [tilespmem:s31], [sflag:$0x1], $0x1, v0, vm0, $0x4038;
	[tilespmem:$0x580] =	vst v63  }
0x65: {  	v0 =	vld.msk [tilespmem:s13+$0x2D0 ss:$0x1], $0xffff;
	_ =	sdelay $0x4  }
0x66: {  	v0 =	vmin.u32 v0, $0x2000;
	_ =	sdelay $0x3  }
.Ltmp3:
0x67: {  	s13 =	sadd.s32 $0x490, s13;
	(pc) =	sbr.rel .LBB2_3-.Ltmp3, $4  }
0x68: {  	[spmem:s10] =	stream.indirect_vreg.scatter.add.s32 [tilespmem:s13], [sflag:$0x1], $0x1, v0, vm0, $0x4038;
	[tilespmem:$0x580] =	vst v63  }
0x69: {  	_ =	swait.ge [sflag:s5], $0xE0  }
0x6a: {  	[sflag:s5] =	ssyncset.done $0x0  }
0x6b: {  	[sflag:s5] =	ssyncadd.s32 $0xFFFFFF20  }
.LBB2_4:
0x6c: {  	_ =	sfence.sel $0x180000  }
0x6d: {  	s2 =	simm.s32 $0x2;
	[bflag:$0x0] =	sbarrier.arrive $0xFFFF  }
0x6e: {  	s30 =	simm.s32 $0x1;
	[sflag:s2] =	ssyncpa.u1 $0x1  }
0x6f: {  	[sflag:s30] =	ssyncpa.u1 $0x1  }
0x70: {  	_ =	sfence.stream.spmem  }
0x71: {  	s31 =	simm.s32 $0x3D;
	[bflag:$0x0] =	sbarrier.arrive $0xFFFF  }
0x72: {  	s2 =	simm.s32 @p0 $0x3D;
	[sflag:s31] =	ssyncpa.u1 $0x0  }
0x73: {  	[sflag:s2] =	ssyncpa.u1 @p0 $0x1  }
0x74: {  	[bflag:$0x0] =	sbarrier.arrive @p0 $0xFFFF  }
0x75: {  	_ =	strace @p0 $0x90000047  }
0x76: {  	s3 =	simm.s32 @!p0 $0x1C3D;
	s2 =	simm.s32 @!p0 $0x0;
	[bflag:$0x2] =	sbarrier.arrive @p0 $0xFFFF  }
0x77: {  	[hbm:s1], [sflag:s3] =	dma.local @!p0 [spmem:s2], $0x400  }
0x78: {  	s1 =	simm.s32 @!p0 $0x3D  }
0x79: {  	_ =	swait.ge @!p0 [sflag:s1], $0x400  }
0x7a: {  	[sflag:s1] =	ssyncset.done @!p0 $0x0  }
0x7b: {  	[sflag:s1] =	ssyncadd.s32 @!p0 $0xFFFFFC00  }
0x7c: {  	[sflag:s1] =	ssyncpa.u1 @!p0 $0x1  }
0x7d: {  	[bflag:$0x0] =	sbarrier.arrive @!p0 $0xFFFF  }
0x7e: {  	_ =	strace @!p0 $0x90000047  }
0x7f: {  	s0 =	sadd.s32 @!p0 $0x100000, s0;
	[bflag:$0x2] =	sbarrier.arrive @!p0 $0xFFFF  }
0x80: {  	[sflag:s0] =	ssyncadd.tile.s32 @!p0 $0x1;
	_ =	shalt  }
.Lfunc_end2:
_tile_overlayer_lowered:
.L_overlay_start_2:
0x81: {  	(tag) =	ssettag $0x2  }
0x82: {  	s0 =	rddreg [dreg:$0x0];
	s2 =	stileid.u32  }
0x83: {  	s1 =	rddreg [dreg:$0x1];
	p0 =	sne.s32 s2, $0x0  }
0x84: {  	s3 =	rddreg [dreg:$0x2];
	[bflag:$0x3] =	sbarrier.arrive $0xFFFF;
	s2 =	simm.s32 @!p0 $0x1C01  }
0x85: {  	[timem:s3], [sflag:s2] =	dma.local @!p0 [hbm:s0], s1  }
0x86: {  	s0 =	simm.s32 @!p0 $0x1  }
0x87: {  	_ =	swait.ge @!p0 [sflag:s0], s1  }
0x88: {  	s1 =	ssub.s32 @!p0 $0x0, s1;
	[sflag:s0] =	ssyncset.done @!p0 $0x0  }
0x89: {  	[sflag:s0] =	ssyncadd.s32 @!p0 s1  }
0x8a: {  	[bflag:$0x3] =	sbarrier.arrive $0xFFFF  }
0x8b: {  	_ =	shalt  }

</sc_bundles>
